<compile_context>
chip_gen: v7x
topology: tpu7x:2x2x1
jax: 0.10.2.dev20260603
libtpu: 0.0.44.dev20260713+nightly
codegen_flags: <defaults>
</compile_context>

<pallas_src>
import functools

import jax
import jax.numpy as jnp
from jax import lax
from jax.experimental import pallas as pl
from jax.experimental.pallas import tpu as pltpu
from jax.experimental.pallas import tpu_sc as plsc

N = 10000
D = 128
E = 320000
NC = 2
NS = 16
NW = NC * NS
CH = 128
NB = 3
CPT = 81
EPW = CPT * CH
EPAD = EPW * NW
NPAD = 10112
RPT = NPAD // NS

_mesh = plsc.VectorSubcoreMesh(core_axis_name="c", subcore_axis_name="s")


@functools.partial(
    pl.kernel,
    out_type=jax.ShapeDtypeStruct((NC * NPAD, D), jnp.float32),
    mesh=_mesh,
    scratch_types=[
        [pltpu.VMEM((CH,), jnp.int32)] * NB,
        [pltpu.VMEM((CH,), jnp.int32)] * NB,
        [pltpu.VMEM((CH, D), jnp.float32)] * NB,
        pltpu.VMEM_SHARED((NPAD, D), jnp.float32),
        [pltpu.SemaphoreType.DMA] * NB,
        [pltpu.SemaphoreType.DMA] * NB,
        [pltpu.SemaphoreType.DMA] * NB,
    ],
)
def _sc_scatter(t_hbm, row_hbm, col_hbm, zero_hbm, out_hbm,
                ridx, cidx, rows, agg_sh, gsem, ssem, isem):
    c = lax.axis_index("c")
    s = lax.axis_index("s")
    w = c * NS + s
    base = w * EPW

    pltpu.sync_copy(zero_hbm, agg_sh.at[pl.ds(s * RPT, RPT)])
    plsc.subcore_barrier()

    def drain_scatter(b):
        pltpu.make_async_copy(rows[b], agg_sh.at[cidx[b]], ssem[b]).wait()

    @pl.loop(0, CPT // NB)
    def _group(h):
        g0 = h * NB
        iloads = []
        for b in range(NB):
            @pl.when(h > 0)
            def _(b=b):
                drain_scatter(b)

            off = base + (g0 + b) * CH
            iloads.append((
                pltpu.async_copy(row_hbm.at[pl.ds(off, CH)], ridx[b], isem[b]),
                pltpu.async_copy(col_hbm.at[pl.ds(off, CH)], cidx[b], isem[b]),
            ))
        gathers = []
        for b in range(NB):
            iloads[b][0].wait()
            iloads[b][1].wait()
            gathers.append(
                pltpu.async_copy(t_hbm.at[ridx[b]], rows[b], gsem[b]))
        for b in range(NB):
            gathers[b].wait()
            pltpu.async_copy(rows[b], agg_sh.at[cidx[b]], ssem[b], add=True)

    for b in range(NB):
        drain_scatter(b)

    plsc.subcore_barrier()
    r0 = s * RPT
    pltpu.sync_copy(agg_sh.at[pl.ds(r0, RPT)],
                    out_hbm.at[pl.ds(c * NPAD + r0, RPT)])


def _mm_body(x_ref, w_ref, b_ref, o_ref):
    o_ref[...] = lax.dot_general(
        x_ref[...], w_ref[...], (((1,), (1,)), ((), ())),
        preferred_element_type=jnp.float32) + b_ref[...]


def _comb_mm_body(t_ref, a0_ref, a1_ref, w_ref, b_ref, o_ref):
    x = jnp.maximum((t_ref[...] + a0_ref[0] + a1_ref[0]) * 0.5, 0.0)
    o_ref[...] = lax.dot_general(
        x, w_ref[...], (((1,), (1,)), ((), ())),
        preferred_element_type=jnp.float32) + b_ref[...]


def _final_body(t_ref, a0_ref, a1_ref, o_ref):
    o_ref[...] = (t_ref[...] + a0_ref[0] + a1_ref[0]) * 0.5


_BR = 1000


def _row_spec(br):
    return pl.BlockSpec((br, D), lambda i: (i, 0))


def _agg_spec(br, core):
    return pl.BlockSpec((1, br, D), lambda i, core=core: (core, i, 0))


def _full_spec(shape):
    return pl.BlockSpec(shape, lambda i: (0,) * len(shape))


def _mm(x, w, b):
    return pl.pallas_call(
        _mm_body,
        grid=(N // _BR,),
        in_specs=[_row_spec(_BR), _full_spec((D, D)), _full_spec((1, D))],
        out_specs=_row_spec(_BR),
        out_shape=jax.ShapeDtypeStruct((N, D), jnp.float32),
    )(x, w, b)


def _comb_mm(t, agg, w, b):
    return pl.pallas_call(
        _comb_mm_body,
        grid=(N // _BR,),
        in_specs=[_row_spec(_BR), _agg_spec(_BR, 0), _agg_spec(_BR, 1),
                  _full_spec((D, D)), _full_spec((1, D))],
        out_specs=_row_spec(_BR),
        out_shape=jax.ShapeDtypeStruct((N, D), jnp.float32),
    )(t, agg, agg, w, b)


def _final(t, agg):
    return pl.pallas_call(
        _final_body,
        grid=(N // _BR,),
        in_specs=[_row_spec(_BR), _agg_spec(_BR, 0), _agg_spec(_BR, 1)],
        out_specs=_row_spec(_BR),
        out_shape=jax.ShapeDtypeStruct((N, D), jnp.float32),
    )(t, agg, agg)


def kernel(node_features, edge_index, w0, b0, w1, b1, hidden_dim):
    del hidden_dim
    row = edge_index[0]
    col = edge_index[1]
    pad = EPAD - E
    ar = jnp.arange(pad, dtype=jnp.int32)
    row_p = jnp.concatenate([row, ar % N])
    col_p = jnp.concatenate([col, N + ar % (NPAD - N)])
    zero_tile = jnp.zeros((RPT, D), jnp.float32)

    t0 = _mm(node_features, w0[0], b0)
    agg0 = _sc_scatter(t0, row_p, col_p, zero_tile).reshape(NC, NPAD, D)
    t1 = _comb_mm(t0, agg0, w1[0], b1)
    agg1 = _sc_scatter(t1, row_p, col_p, zero_tile).reshape(NC, NPAD, D)
    return _final(t1, agg1)

# --- scband reference (transcript-rebuilt; emitter-appended) ---
"""Pipeline reference for scband-adaptive-dynamic-gnn-12704513262261 (READ-ONLY COPY).

The authoritative reference and input builder live on the scoring server;
editing this copy changes nothing except your own understanding.
"""

import jax, jax.numpy as jnp
import numpy as np

N, D, E = 10000, 128, 320000


def setup_inputs(seed: int = 0) -> dict:
    key = jax.random.key(seed)
    ks = jax.random.split(key, 6)
    node_features = jax.random.normal(ks[0], (N, D), dtype=jnp.float32)
    edge_index = jax.random.randint(ks[1], (2, E), 0, N, dtype=jnp.int32)
    scale = 1.0 / np.sqrt(D)
    w0 = jax.random.normal(ks[2], (1, D, D), dtype=jnp.float32) * scale
    b0 = jax.random.normal(ks[3], (1, D), dtype=jnp.float32) * 0.05
    w1 = jax.random.normal(ks[4], (1, D, D), dtype=jnp.float32) * scale
    b1 = jax.random.normal(ks[5], (1, D), dtype=jnp.float32) * 0.05
    return {
        "node_features": node_features,
        "edge_index": edge_index,
        "w0": w0,
        "b0": b0,
        "w1": w1,
        "b1": b1,
        "hidden_dim": D,
    }


def _adaptive_layer(features, edge_index, weight, bias):
    # weights['weight'][0] -> weight[0]; weights['bias'][0] -> bias[0]
    transformed = features @ weight[0].T + bias[0]
    row = edge_index[0]
    col = edge_index[1]
    messages = jnp.take(transformed, row, axis=0)
    aggregated = jnp.zeros_like(transformed).at[col].add(messages)
    return (transformed + aggregated) / 2.0


def reference(node_features, edge_index, w0, b0, w1, b1, hidden_dim):
    # node_features.shape[1] == hidden_dim, so the dynamic input projection
    # branch is skipped (faithful to the torch module for this config).
    x = node_features
    x = _adaptive_layer(x, edge_index, w0, b0)
    # relu between layers; dropout p=0.1 is identity in eval mode
    x = jax.nn.relu(x)
    x = _adaptive_layer(x, edge_index, w1, b1)
    return x

if __name__ == "__main__":
    import jax
    _d = setup_inputs()
    print(jax.jit(kernel)(*tuple(_d.values())))

</pallas_src>

<mosaic_0001>
#map = affine_map<(d0, d1) -> (0, 0)>
#map1 = affine_map<(d0, d1) -> (0)>
module attributes {stable_mosaic.version = 14 : i64} {
  func.func @_sc_scatter(%arg0: i32, %arg1: i32, %arg2: memref<10000x128xf32, #tpu.memory_space<hbm>>, %arg3: memref<331776xi32, #tpu.memory_space<hbm>>, %arg4: memref<331776xi32, #tpu.memory_space<hbm>>, %arg5: memref<632x128xf32, #tpu.memory_space<hbm>>, %arg6: memref<20224x128xf32, #tpu.memory_space<hbm>>, %arg7: memref<128xi32, #tpu.memory_space<vmem>>, %arg8: memref<128xi32, #tpu.memory_space<vmem>>, %arg9: memref<128xi32, #tpu.memory_space<vmem>>, %arg10: memref<128xi32, #tpu.memory_space<vmem>>, %arg11: memref<128xi32, #tpu.memory_space<vmem>>, %arg12: memref<128xi32, #tpu.memory_space<vmem>>, %arg13: memref<128x128xf32, #tpu.memory_space<vmem>>, %arg14: memref<128x128xf32, #tpu.memory_space<vmem>>, %arg15: memref<128x128xf32, #tpu.memory_space<vmem>>, %arg16: memref<10112x128xf32, #tpu.memory_space<vmem_shared>>, %arg17: memref<!tpu.dma_semaphore, #tpu.memory_space<semaphore_mem>>, %arg18: memref<!tpu.dma_semaphore, #tpu.memory_space<semaphore_mem>>, %arg19: memref<!tpu.dma_semaphore, #tpu.memory_space<semaphore_mem>>, %arg20: memref<!tpu.dma_semaphore, #tpu.memory_space<semaphore_mem>>, %arg21: memref<!tpu.dma_semaphore, #tpu.memory_space<semaphore_mem>>, %arg22: memref<!tpu.dma_semaphore, #tpu.memory_space<semaphore_mem>>, %arg23: memref<!tpu.dma_semaphore, #tpu.memory_space<semaphore_mem>>, %arg24: memref<!tpu.dma_semaphore, #tpu.memory_space<semaphore_mem>>, %arg25: memref<!tpu.dma_semaphore, #tpu.memory_space<semaphore_mem>>) attributes {dimension_semantics = [#tpu.dimension_semantics<core_parallel>, #tpu.dimension_semantics<subcore_parallel>], iteration_bounds = array<i64: 2, 16>, scalar_prefetch = 0 : i64, scratch_operands = 19 : i64, tpu.core_type = #tpu.core_type<sc_vector_subcore>, window_params = [{transform_indices = #map}, {transform_indices = #map1}, {transform_indices = #map1}, {transform_indices = #map}, {transform_indices = #map}]} {
    %mul3A = arith.constant 16 : i32
    %mul3A_0 = arith.muli %arg0, %mul3A : i32
    %add3A = arith.addi %mul3A_0, %arg1 : i32
    %mul3A_1 = arith.constant 10368 : i32
    %mul3A_2 = arith.muli %add3A, %mul3A_1 : i32
    %mul3A_3 = arith.constant 632 : i32
    %mul3A_4 = arith.muli %arg1, %mul3A_3 : i32
    "tpu.region"() ({
      %run_scoped3A = tpu.sem_alloc : memref<!tpu.dma_semaphore, #tpu.memory_space<semaphore_mem>>
      %dma_start3A = arith.constant 0 : i32
      %dma_start3A_23 = tpu.memref_slice %arg16[%mul3A_4, %dma_start3A] : memref<10112x128xf32, #tpu.memory_space<vmem_shared>> -> memref<632x128xf32, #tpu.memory_space<vmem_shared>>
      tpu.enqueue_dma source(%arg5 : memref<632x128xf32, #tpu.memory_space<hbm>>) target(%dma_start3A_23 : memref<632x128xf32, #tpu.memory_space<vmem_shared>>) target_semaphore(%run_scoped3A : memref<!tpu.dma_semaphore, #tpu.memory_space<semaphore_mem>>)
      %dma_wait3A_24 = arith.constant 0 : i32
      %dma_wait3A_25 = tpu.memref_slice %arg16[%mul3A_4, %dma_wait3A_24] : memref<10112x128xf32, #tpu.memory_space<vmem_shared>> -> memref<632x128xf32, #tpu.memory_space<vmem_shared>>
      tpu.wait_dma2 semaphore(%run_scoped3A : memref<!tpu.dma_semaphore, #tpu.memory_space<semaphore_mem>>) src(%arg5 : memref<632x128xf32, #tpu.memory_space<hbm>>) dst(%dma_wait3A_25 : memref<632x128xf32, #tpu.memory_space<vmem_shared>>)
      tpu.yield
    }) : () -> ()
    %barrier3A = arith.constant 0 : index
    tpu.barrier barrier_id(%barrier3A)
    %scan3A = arith.constant 0 : i32
    %scan3A_5 = arith.constant 27 : i32
    %scan3A_6 = arith.addi %scan3A, %scan3A_5 : i32
    %scan3A_7 = arith.constant 1 : i32
    scf.for %scan3A_23 = %scan3A to %scan3A_6 step %scan3A_7  : i32 {
      %mul3A_24 = arith.constant 1 : i32
      %mul3A_25 = arith.muli %scan3A_23, %mul3A_24 : i32
      %add3A_26 = arith.constant 0 : i32
      %add3A_27 = arith.addi %add3A_26, %mul3A_25 : i32
      %mul3A_28 = arith.constant 3 : i32
      %mul3A_29 = arith.muli %add3A_27, %mul3A_28 : i32
      %gt3A = arith.constant 0 : i32
      %gt3A_30 = arith.cmpi sgt, %add3A_27, %gt3A : i32
      %convert_element_type3A = arith.extui %gt3A_30 : i1 to i32
      %cond3A = arith.constant 0 : i32
      %cond3A_31 = arith.cmpi ne, %convert_element_type3A, %cond3A : i32
      scf.if %cond3A_31 {
        %dma_wait3A_107 = arith.constant 0 : i32
        %dma_wait3A_108 = arith.constant 0 : i32
        %dma_wait3A_109 = tpu.memref_slice %arg16[%dma_wait3A_107, %dma_wait3A_108] : memref<10112x128xf32, #tpu.memory_space<vmem_shared>> -> memref<10112x128xf32, #tpu.memory_space<vmem_shared>>
        tpu.wait_indirect_dma semaphore(%arg20 : memref<!tpu.dma_semaphore, #tpu.memory_space<semaphore_mem>>) src(%arg13 : memref<128x128xf32, #tpu.memory_space<vmem>>) dst(%dma_wait3A_109 : memref<10112x128xf32, #tpu.memory_space<vmem_shared>>)
      } else {
      }
      %add3A_32 = arith.constant 0 : i32
      %add3A_33 = arith.addi %mul3A_29, %add3A_32 : i32
      %mul3A_34 = arith.constant 128 : i32
      %mul3A_35 = arith.muli %add3A_33, %mul3A_34 : i32
      %add3A_36 = arith.addi %mul3A_2, %mul3A_35 : i32
      %dma_start3A = tpu.memref_slice %arg3[%add3A_36] : memref<331776xi32, #tpu.memory_space<hbm>> -> memref<128xi32, #tpu.memory_space<hbm>>
      %dma_start3A_37 = tpu.memref_slice %arg3[%add3A_36] : memref<331776xi32, #tpu.memory_space<hbm>> -> memref<128xi32, #tpu.memory_space<hbm>>
      tpu.enqueue_dma source(%dma_start3A_37 : memref<128xi32, #tpu.memory_space<hbm>>) target(%arg7 : memref<128xi32, #tpu.memory_space<vmem>>) target_semaphore(%arg23 : memref<!tpu.dma_semaphore, #tpu.memory_space<semaphore_mem>>)
      %dma_start3A_38 = tpu.memref_slice %arg4[%add3A_36] : memref<331776xi32, #tpu.memory_space<hbm>> -> memref<128xi32, #tpu.memory_space<hbm>>
      %dma_start3A_39 = tpu.memref_slice %arg4[%add3A_36] : memref<331776xi32, #tpu.memory_space<hbm>> -> memref<128xi32, #tpu.memory_space<hbm>>
      tpu.enqueue_dma source(%dma_start3A_39 : memref<128xi32, #tpu.memory_space<hbm>>) target(%arg10 : memref<128xi32, #tpu.memory_space<vmem>>) target_semaphore(%arg23 : memref<!tpu.dma_semaphore, #tpu.memory_space<semaphore_mem>>)
      %gt3A_40 = arith.constant 0 : i32
      %gt3A_41 = arith.cmpi sgt, %add3A_27, %gt3A_40 : i32
      %convert_element_type3A_42 = arith.extui %gt3A_41 : i1 to i32
      %cond3A_43 = arith.constant 0 : i32
      %cond3A_44 = arith.cmpi ne, %convert_element_type3A_42, %cond3A_43 : i32
      scf.if %cond3A_44 {
        %dma_wait3A_107 = arith.constant 0 : i32
        %dma_wait3A_108 = arith.constant 0 : i32
        %dma_wait3A_109 = tpu.memref_slice %arg16[%dma_wait3A_107, %dma_wait3A_108] : memref<10112x128xf32, #tpu.memory_space<vmem_shared>> -> memref<10112x128xf32, #tpu.memory_space<vmem_shared>>
        tpu.wait_indirect_dma semaphore(%arg21 : memref<!tpu.dma_semaphore, #tpu.memory_space<semaphore_mem>>) src(%arg14 : memref<128x128xf32, #tpu.memory_space<vmem>>) dst(%dma_wait3A_109 : memref<10112x128xf32, #tpu.memory_space<vmem_shared>>)
      } else {
      }
      %add3A_45 = arith.constant 1 : i32
      %add3A_46 = arith.addi %mul3A_29, %add3A_45 : i32
      %mul3A_47 = arith.constant 128 : i32
      %mul3A_48 = arith.muli %add3A_46, %mul3A_47 : i32
      %add3A_49 = arith.addi %mul3A_2, %mul3A_48 : i32
      %dma_start3A_50 = tpu.memref_slice %arg3[%add3A_49] : memref<331776xi32, #tpu.memory_space<hbm>> -> memref<128xi32, #tpu.memory_space<hbm>>
      %dma_start3A_51 = tpu.memref_slice %arg3[%add3A_49] : memref<331776xi32, #tpu.memory_space<hbm>> -> memref<128xi32, #tpu.memory_space<hbm>>
      tpu.enqueue_dma source(%dma_start3A_51 : memref<128xi32, #tpu.memory_space<hbm>>) target(%arg8 : memref<128xi32, #tpu.memory_space<vmem>>) target_semaphore(%arg24 : memref<!tpu.dma_semaphore, #tpu.memory_space<semaphore_mem>>)
      %dma_start3A_52 = tpu.memref_slice %arg4[%add3A_49] : memref<331776xi32, #tpu.memory_space<hbm>> -> memref<128xi32, #tpu.memory_space<hbm>>
      %dma_start3A_53 = tpu.memref_slice %arg4[%add3A_49] : memref<331776xi32, #tpu.memory_space<hbm>> -> memref<128xi32, #tpu.memory_space<hbm>>
      tpu.enqueue_dma source(%dma_start3A_53 : memref<128xi32, #tpu.memory_space<hbm>>) target(%arg11 : memref<128xi32, #tpu.memory_space<vmem>>) target_semaphore(%arg24 : memref<!tpu.dma_semaphore, #tpu.memory_space<semaphore_mem>>)
      %gt3A_54 = arith.constant 0 : i32
      %gt3A_55 = arith.cmpi sgt, %add3A_27, %gt3A_54 : i32
      %convert_element_type3A_56 = arith.extui %gt3A_55 : i1 to i32
      %cond3A_57 = arith.constant 0 : i32
      %cond3A_58 = arith.cmpi ne, %convert_element_type3A_56, %cond3A_57 : i32
      scf.if %cond3A_58 {
        %dma_wait3A_107 = arith.constant 0 : i32
        %dma_wait3A_108 = arith.constant 0 : i32
        %dma_wait3A_109 = tpu.memref_slice %arg16[%dma_wait3A_107, %dma_wait3A_108] : memref<10112x128xf32, #tpu.memory_space<vmem_shared>> -> memref<10112x128xf32, #tpu.memory_space<vmem_shared>>
        tpu.wait_indirect_dma semaphore(%arg22 : memref<!tpu.dma_semaphore, #tpu.memory_space<semaphore_mem>>) src(%arg15 : memref<128x128xf32, #tpu.memory_space<vmem>>) dst(%dma_wait3A_109 : memref<10112x128xf32, #tpu.memory_space<vmem_shared>>)
      } else {
      }
      %add3A_59 = arith.constant 2 : i32
      %add3A_60 = arith.addi %mul3A_29, %add3A_59 : i32
      %mul3A_61 = arith.constant 128 : i32
      %mul3A_62 = arith.muli %add3A_60, %mul3A_61 : i32
      %add3A_63 = arith.addi %mul3A_2, %mul3A_62 : i32
      %dma_start3A_64 = tpu.memref_slice %arg3[%add3A_63] : memref<331776xi32, #tpu.memory_space<hbm>> -> memref<128xi32, #tpu.memory_space<hbm>>
      %dma_start3A_65 = tpu.memref_slice %arg3[%add3A_63] : memref<331776xi32, #tpu.memory_space<hbm>> -> memref<128xi32, #tpu.memory_space<hbm>>
      tpu.enqueue_dma source(%dma_start3A_65 : memref<128xi32, #tpu.memory_space<hbm>>) target(%arg9 : memref<128xi32, #tpu.memory_space<vmem>>) target_semaphore(%arg25 : memref<!tpu.dma_semaphore, #tpu.memory_space<semaphore_mem>>)
      %dma_start3A_66 = tpu.memref_slice %arg4[%add3A_63] : memref<331776xi32, #tpu.memory_space<hbm>> -> memref<128xi32, #tpu.memory_space<hbm>>
      %dma_start3A_67 = tpu.memref_slice %arg4[%add3A_63] : memref<331776xi32, #tpu.memory_space<hbm>> -> memref<128xi32, #tpu.memory_space<hbm>>
      tpu.enqueue_dma source(%dma_start3A_67 : memref<128xi32, #tpu.memory_space<hbm>>) target(%arg12 : memref<128xi32, #tpu.memory_space<vmem>>) target_semaphore(%arg25 : memref<!tpu.dma_semaphore, #tpu.memory_space<semaphore_mem>>)
      %dma_wait3A_68 = tpu.memref_slice %arg3[%add3A_36] : memref<331776xi32, #tpu.memory_space<hbm>> -> memref<128xi32, #tpu.memory_space<hbm>>
      %dma_wait3A_69 = tpu.memref_slice %arg3[%add3A_36] : memref<331776xi32, #tpu.memory_space<hbm>> -> memref<128xi32, #tpu.memory_space<hbm>>
      tpu.wait_dma2 semaphore(%arg23 : memref<!tpu.dma_semaphore, #tpu.memory_space<semaphore_mem>>) src(%dma_wait3A_69 : memref<128xi32, #tpu.memory_space<hbm>>) dst(%arg7 : memref<128xi32, #tpu.memory_space<vmem>>)
      %dma_wait3A_70 = tpu.memref_slice %arg4[%add3A_36] : memref<331776xi32, #tpu.memory_space<hbm>> -> memref<128xi32, #tpu.memory_space<hbm>>
      %dma_wait3A_71 = tpu.memref_slice %arg4[%add3A_36] : memref<331776xi32, #tpu.memory_space<hbm>> -> memref<128xi32, #tpu.memory_space<hbm>>
      tpu.wait_dma2 semaphore(%arg23 : memref<!tpu.dma_semaphore, #tpu.memory_space<semaphore_mem>>) src(%dma_wait3A_71 : memref<128xi32, #tpu.memory_space<hbm>>) dst(%arg10 : memref<128xi32, #tpu.memory_space<vmem>>)
      %dma_start3A_72 = arith.constant 0 : i32
      %dma_start3A_73 = arith.constant 0 : i32
      %dma_start3A_74 = tpu.memref_slice %arg2[%dma_start3A_72, %dma_start3A_73] : memref<10000x128xf32, #tpu.memory_space<hbm>> -> memref<10000x128xf32, #tpu.memory_space<hbm>>
      tpu.enqueue_indirect_dma source(%dma_start3A_74 : memref<10000x128xf32, #tpu.memory_space<hbm>>) target(%arg13 : memref<128x128xf32, #tpu.memory_space<vmem>>) offsets(%arg7 : memref<128xi32, #tpu.memory_space<vmem>>) semaphore(%arg17 : memref<!tpu.dma_semaphore, #tpu.memory_space<semaphore_mem>>)
      %dma_wait3A_75 = tpu.memref_slice %arg3[%add3A_49] : memref<331776xi32, #tpu.memory_space<hbm>> -> memref<128xi32, #tpu.memory_space<hbm>>
      %dma_wait3A_76 = tpu.memref_slice %arg3[%add3A_49] : memref<331776xi32, #tpu.memory_space<hbm>> -> memref<128xi32, #tpu.memory_space<hbm>>
      tpu.wait_dma2 semaphore(%arg24 : memref<!tpu.dma_semaphore, #tpu.memory_space<semaphore_mem>>) src(%dma_wait3A_76 : memref<128xi32, #tpu.memory_space<hbm>>) dst(%arg8 : memref<128xi32, #tpu.memory_space<vmem>>)
      %dma_wait3A_77 = tpu.memref_slice %arg4[%add3A_49] : memref<331776xi32, #tpu.memory_space<hbm>> -> memref<128xi32, #tpu.memory_space<hbm>>
      %dma_wait3A_78 = tpu.memref_slice %arg4[%add3A_49] : memref<331776xi32, #tpu.memory_space<hbm>> -> memref<128xi32, #tpu.memory_space<hbm>>
      tpu.wait_dma2 semaphore(%arg24 : memref<!tpu.dma_semaphore, #tpu.memory_space<semaphore_mem>>) src(%dma_wait3A_78 : memref<128xi32, #tpu.memory_space<hbm>>) dst(%arg11 : memref<128xi32, #tpu.memory_space<vmem>>)
      %dma_start3A_79 = arith.constant 0 : i32
      %dma_start3A_80 = arith.constant 0 : i32
      %dma_start3A_81 = tpu.memref_slice %arg2[%dma_start3A_79, %dma_start3A_80] : memref<10000x128xf32, #tpu.memory_space<hbm>> -> memref<10000x128xf32, #tpu.memory_space<hbm>>
      tpu.enqueue_indirect_dma source(%dma_start3A_81 : memref<10000x128xf32, #tpu.memory_space<hbm>>) target(%arg14 : memref<128x128xf32, #tpu.memory_space<vmem>>) offsets(%arg8 : memref<128xi32, #tpu.memory_space<vmem>>) semaphore(%arg18 : memref<!tpu.dma_semaphore, #tpu.memory_space<semaphore_mem>>)
      %dma_wait3A_82 = tpu.memref_slice %arg3[%add3A_63] : memref<331776xi32, #tpu.memory_space<hbm>> -> memref<128xi32, #tpu.memory_space<hbm>>
      %dma_wait3A_83 = tpu.memref_slice %arg3[%add3A_63] : memref<331776xi32, #tpu.memory_space<hbm>> -> memref<128xi32, #tpu.memory_space<hbm>>
      tpu.wait_dma2 semaphore(%arg25 : memref<!tpu.dma_semaphore, #tpu.memory_space<semaphore_mem>>) src(%dma_wait3A_83 : memref<128xi32, #tpu.memory_space<hbm>>) dst(%arg9 : memref<128xi32, #tpu.memory_space<vmem>>)
      %dma_wait3A_84 = tpu.memref_slice %arg4[%add3A_63] : memref<331776xi32, #tpu.memory_space<hbm>> -> memref<128xi32, #tpu.memory_space<hbm>>
      %dma_wait3A_85 = tpu.memref_slice %arg4[%add3A_63] : memref<331776xi32, #tpu.memory_space<hbm>> -> memref<128xi32, #tpu.memory_space<hbm>>
      tpu.wait_dma2 semaphore(%arg25 : memref<!tpu.dma_semaphore, #tpu.memory_space<semaphore_mem>>) src(%dma_wait3A_85 : memref<128xi32, #tpu.memory_space<hbm>>) dst(%arg12 : memref<128xi32, #tpu.memory_space<vmem>>)
      %dma_start3A_86 = arith.constant 0 : i32
      %dma_start3A_87 = arith.constant 0 : i32
      %dma_start3A_88 = tpu.memref_slice %arg2[%dma_start3A_86, %dma_start3A_87] : memref<10000x128xf32, #tpu.memory_space<hbm>> -> memref<10000x128xf32, #tpu.memory_space<hbm>>
      tpu.enqueue_indirect_dma source(%dma_start3A_88 : memref<10000x128xf32, #tpu.memory_space<hbm>>) target(%arg15 : memref<128x128xf32, #tpu.memory_space<vmem>>) offsets(%arg9 : memref<128xi32, #tpu.memory_space<vmem>>) semaphore(%arg19 : memref<!tpu.dma_semaphore, #tpu.memory_space<semaphore_mem>>)
      %dma_wait3A_89 = arith.constant 0 : i32
      %dma_wait3A_90 = arith.constant 0 : i32
      %dma_wait3A_91 = tpu.memref_slice %arg2[%dma_wait3A_89, %dma_wait3A_90] : memref<10000x128xf32, #tpu.memory_space<hbm>> -> memref<10000x128xf32, #tpu.memory_space<hbm>>
      tpu.wait_indirect_dma semaphore(%arg17 : memref<!tpu.dma_semaphore, #tpu.memory_space<semaphore_mem>>) src(%dma_wait3A_91 : memref<10000x128xf32, #tpu.memory_space<hbm>>) dst(%arg13 : memref<128x128xf32, #tpu.memory_space<vmem>>)
      %dma_start3A_92 = arith.constant 0 : i32
      %dma_start3A_93 = arith.constant 0 : i32
      %dma_start3A_94 = tpu.memref_slice %arg16[%dma_start3A_92, %dma_start3A_93] : memref<10112x128xf32, #tpu.memory_space<vmem_shared>> -> memref<10112x128xf32, #tpu.memory_space<vmem_shared>>
      tpu.enqueue_indirect_dma source(%arg13 : memref<128x128xf32, #tpu.memory_space<vmem>>) target(%dma_start3A_94 : memref<10112x128xf32, #tpu.memory_space<vmem_shared>>) offsets(%arg10 : memref<128xi32, #tpu.memory_space<vmem>>) semaphore(%arg20 : memref<!tpu.dma_semaphore, #tpu.memory_space<semaphore_mem>>) {add = true}
      %dma_wait3A_95 = arith.constant 0 : i32
      %dma_wait3A_96 = arith.constant 0 : i32
      %dma_wait3A_97 = tpu.memref_slice %arg2[%dma_wait3A_95, %dma_wait3A_96] : memref<10000x128xf32, #tpu.memory_space<hbm>> -> memref<10000x128xf32, #tpu.memory_space<hbm>>
      tpu.wait_indirect_dma semaphore(%arg18 : memref<!tpu.dma_semaphore, #tpu.memory_space<semaphore_mem>>) src(%dma_wait3A_97 : memref<10000x128xf32, #tpu.memory_space<hbm>>) dst(%arg14 : memref<128x128xf32, #tpu.memory_space<vmem>>)
      %dma_start3A_98 = arith.constant 0 : i32
      %dma_start3A_99 = arith.constant 0 : i32
      %dma_start3A_100 = tpu.memref_slice %arg16[%dma_start3A_98, %dma_start3A_99] : memref<10112x128xf32, #tpu.memory_space<vmem_shared>> -> memref<10112x128xf32, #tpu.memory_space<vmem_shared>>
      tpu.enqueue_indirect_dma source(%arg14 : memref<128x128xf32, #tpu.memory_space<vmem>>) target(%dma_start3A_100 : memref<10112x128xf32, #tpu.memory_space<vmem_shared>>) offsets(%arg11 : memref<128xi32, #tpu.memory_space<vmem>>) semaphore(%arg21 : memref<!tpu.dma_semaphore, #tpu.memory_space<semaphore_mem>>) {add = true}
      %dma_wait3A_101 = arith.constant 0 : i32
      %dma_wait3A_102 = arith.constant 0 : i32
      %dma_wait3A_103 = tpu.memref_slice %arg2[%dma_wait3A_101, %dma_wait3A_102] : memref<10000x128xf32, #tpu.memory_space<hbm>> -> memref<10000x128xf32, #tpu.memory_space<hbm>>
      tpu.wait_indirect_dma semaphore(%arg19 : memref<!tpu.dma_semaphore, #tpu.memory_space<semaphore_mem>>) src(%dma_wait3A_103 : memref<10000x128xf32, #tpu.memory_space<hbm>>) dst(%arg15 : memref<128x128xf32, #tpu.memory_space<vmem>>)
      %dma_start3A_104 = arith.constant 0 : i32
      %dma_start3A_105 = arith.constant 0 : i32
      %dma_start3A_106 = tpu.memref_slice %arg16[%dma_start3A_104, %dma_start3A_105] : memref<10112x128xf32, #tpu.memory_space<vmem_shared>> -> memref<10112x128xf32, #tpu.memory_space<vmem_shared>>
      tpu.enqueue_indirect_dma source(%arg15 : memref<128x128xf32, #tpu.memory_space<vmem>>) target(%dma_start3A_106 : memref<10112x128xf32, #tpu.memory_space<vmem_shared>>) offsets(%arg12 : memref<128xi32, #tpu.memory_space<vmem>>) semaphore(%arg22 : memref<!tpu.dma_semaphore, #tpu.memory_space<semaphore_mem>>) {add = true}
    }
    %scan3A_8 = arith.constant 27 : i32
    %dma_wait3A = arith.constant 0 : i32
    %dma_wait3A_9 = arith.constant 0 : i32
    %dma_wait3A_10 = tpu.memref_slice %arg16[%dma_wait3A, %dma_wait3A_9] : memref<10112x128xf32, #tpu.memory_space<vmem_shared>> -> memref<10112x128xf32, #tpu.memory_space<vmem_shared>>
    tpu.wait_indirect_dma semaphore(%arg20 : memref<!tpu.dma_semaphore, #tpu.memory_space<semaphore_mem>>) src(%arg13 : memref<128x128xf32, #tpu.memory_space<vmem>>) dst(%dma_wait3A_10 : memref<10112x128xf32, #tpu.memory_space<vmem_shared>>)
    %dma_wait3A_11 = arith.constant 0 : i32
    %dma_wait3A_12 = arith.constant 0 : i32
    %dma_wait3A_13 = tpu.memref_slice %arg16[%dma_wait3A_11, %dma_wait3A_12] : memref<10112x128xf32, #tpu.memory_space<vmem_shared>> -> memref<10112x128xf32, #tpu.memory_space<vmem_shared>>
    tpu.wait_indirect_dma semaphore(%arg21 : memref<!tpu.dma_semaphore, #tpu.memory_space<semaphore_mem>>) src(%arg14 : memref<128x128xf32, #tpu.memory_space<vmem>>) dst(%dma_wait3A_13 : memref<10112x128xf32, #tpu.memory_space<vmem_shared>>)
    %dma_wait3A_14 = arith.constant 0 : i32
    %dma_wait3A_15 = arith.constant 0 : i32
    %dma_wait3A_16 = tpu.memref_slice %arg16[%dma_wait3A_14, %dma_wait3A_15] : memref<10112x128xf32, #tpu.memory_space<vmem_shared>> -> memref<10112x128xf32, #tpu.memory_space<vmem_shared>>
    tpu.wait_indirect_dma semaphore(%arg22 : memref<!tpu.dma_semaphore, #tpu.memory_space<semaphore_mem>>) src(%arg15 : memref<128x128xf32, #tpu.memory_space<vmem>>) dst(%dma_wait3A_16 : memref<10112x128xf32, #tpu.memory_space<vmem_shared>>)
    %barrier3A_17 = arith.constant 0 : index
    tpu.barrier barrier_id(%barrier3A_17)
    %mul3A_18 = arith.constant 632 : i32
    %mul3A_19 = arith.muli %arg1, %mul3A_18 : i32
    %mul3A_20 = arith.constant 10112 : i32
    %mul3A_21 = arith.muli %arg0, %mul3A_20 : i32
    %add3A_22 = arith.addi %mul3A_21, %mul3A_19 : i32
    "tpu.region"() ({
      %run_scoped3A = tpu.sem_alloc : memref<!tpu.dma_semaphore, #tpu.memory_space<semaphore_mem>>
      %dma_start3A = arith.constant 0 : i32
      %dma_start3A_23 = tpu.memref_slice %arg6[%add3A_22, %dma_start3A] : memref<20224x128xf32, #tpu.memory_space<hbm>> -> memref<632x128xf32, #tpu.memory_space<hbm>>
      %dma_start3A_24 = arith.constant 0 : i32
      %dma_start3A_25 = tpu.memref_slice %arg16[%mul3A_19, %dma_start3A_24] : memref<10112x128xf32, #tpu.memory_space<vmem_shared>> -> memref<632x128xf32, #tpu.memory_space<vmem_shared>>
      tpu.enqueue_dma source(%dma_start3A_25 : memref<632x128xf32, #tpu.memory_space<vmem_shared>>) target(%dma_start3A_23 : memref<632x128xf32, #tpu.memory_space<hbm>>) target_semaphore(%run_scoped3A : memref<!tpu.dma_semaphore, #tpu.memory_space<semaphore_mem>>)
      %dma_wait3A_26 = arith.constant 0 : i32
      %dma_wait3A_27 = tpu.memref_slice %arg6[%add3A_22, %dma_wait3A_26] : memref<20224x128xf32, #tpu.memory_space<hbm>> -> memref<632x128xf32, #tpu.memory_space<hbm>>
      %dma_wait3A_28 = arith.constant 0 : i32
      %dma_wait3A_29 = tpu.memref_slice %arg16[%mul3A_19, %dma_wait3A_28] : memref<10112x128xf32, #tpu.memory_space<vmem_shared>> -> memref<632x128xf32, #tpu.memory_space<vmem_shared>>
      tpu.wait_dma2 semaphore(%run_scoped3A : memref<!tpu.dma_semaphore, #tpu.memory_space<semaphore_mem>>) src(%dma_wait3A_29 : memref<632x128xf32, #tpu.memory_space<vmem_shared>>) dst(%dma_wait3A_27 : memref<632x128xf32, #tpu.memory_space<hbm>>)
      tpu.yield
    }) : () -> ()
    return
  }
}

#map = affine_map<(d0, d1) -> (0, 0)>
#map1 = affine_map<(d0, d1) -> (0)>
module attributes {stable_mosaic.version = 14 : i64} {
  func.func @_sc_scatter(%arg0: i32, %arg1: i32, %arg2: memref<10000x128xf32, #tpu.memory_space<hbm>>, %arg3: memref<331776xi32, #tpu.memory_space<hbm>>, %arg4: memref<331776xi32, #tpu.memory_space<hbm>>, %arg5: memref<632x128xf32, #tpu.memory_space<hbm>>, %arg6: memref<20224x128xf32, #tpu.memory_space<hbm>>, %arg7: memref<128xi32, #tpu.memory_space<vmem>>, %arg8: memref<128xi32, #tpu.memory_space<vmem>>, %arg9: memref<128xi32, #tpu.memory_space<vmem>>, %arg10: memref<128xi32, #tpu.memory_space<vmem>>, %arg11: memref<128xi32, #tpu.memory_space<vmem>>, %arg12: memref<128xi32, #tpu.memory_space<vmem>>, %arg13: memref<128x128xf32, #tpu.memory_space<vmem>>, %arg14: memref<128x128xf32, #tpu.memory_space<vmem>>, %arg15: memref<128x128xf32, #tpu.memory_space<vmem>>, %arg16: memref<10112x128xf32, #tpu.memory_space<vmem_shared>>, %arg17: memref<!tpu.dma_semaphore, #tpu.memory_space<semaphore_mem>>, %arg18: memref<!tpu.dma_semaphore, #tpu.memory_space<semaphore_mem>>, %arg19: memref<!tpu.dma_semaphore, #tpu.memory_space<semaphore_mem>>, %arg20: memref<!tpu.dma_semaphore, #tpu.memory_space<semaphore_mem>>, %arg21: memref<!tpu.dma_semaphore, #tpu.memory_space<semaphore_mem>>, %arg22: memref<!tpu.dma_semaphore, #tpu.memory_space<semaphore_mem>>, %arg23: memref<!tpu.dma_semaphore, #tpu.memory_space<semaphore_mem>>, %arg24: memref<!tpu.dma_semaphore, #tpu.memory_space<semaphore_mem>>, %arg25: memref<!tpu.dma_semaphore, #tpu.memory_space<semaphore_mem>>) attributes {dimension_semantics = [#tpu.dimension_semantics<core_parallel>, #tpu.dimension_semantics<subcore_parallel>], iteration_bounds = array<i64: 2, 16>, scalar_prefetch = 0 : i64, scratch_operands = 19 : i64, tpu.core_type = #tpu.core_type<sc_vector_subcore>, window_params = [{transform_indices = #map}, {transform_indices = #map1}, {transform_indices = #map1}, {transform_indices = #map}, {transform_indices = #map}]} {
    %mul3A = arith.constant 16 : i32
    %mul3A_0 = arith.muli %arg0, %mul3A : i32
    %add3A = arith.addi %mul3A_0, %arg1 : i32
    %mul3A_1 = arith.constant 10368 : i32
    %mul3A_2 = arith.muli %add3A, %mul3A_1 : i32
    %mul3A_3 = arith.constant 632 : i32
    %mul3A_4 = arith.muli %arg1, %mul3A_3 : i32
    "tpu.region"() ({
      %run_scoped3A = tpu.sem_alloc : memref<!tpu.dma_semaphore, #tpu.memory_space<semaphore_mem>>
      %dma_start3A = arith.constant 0 : i32
      %dma_start3A_23 = tpu.memref_slice %arg16[%mul3A_4, %dma_start3A] : memref<10112x128xf32, #tpu.memory_space<vmem_shared>> -> memref<632x128xf32, #tpu.memory_space<vmem_shared>>
      tpu.enqueue_dma source(%arg5 : memref<632x128xf32, #tpu.memory_space<hbm>>) target(%dma_start3A_23 : memref<632x128xf32, #tpu.memory_space<vmem_shared>>) target_semaphore(%run_scoped3A : memref<!tpu.dma_semaphore, #tpu.memory_space<semaphore_mem>>)
      %dma_wait3A_24 = arith.constant 0 : i32
      %dma_wait3A_25 = tpu.memref_slice %arg16[%mul3A_4, %dma_wait3A_24] : memref<10112x128xf32, #tpu.memory_space<vmem_shared>> -> memref<632x128xf32, #tpu.memory_space<vmem_shared>>
      tpu.wait_dma2 semaphore(%run_scoped3A : memref<!tpu.dma_semaphore, #tpu.memory_space<semaphore_mem>>) src(%arg5 : memref<632x128xf32, #tpu.memory_space<hbm>>) dst(%dma_wait3A_25 : memref<632x128xf32, #tpu.memory_space<vmem_shared>>)
      tpu.yield
    }) : () -> ()
    %barrier3A = arith.constant 0 : index
    tpu.barrier barrier_id(%barrier3A)
    %scan3A = arith.constant 0 : i32
    %scan3A_5 = arith.constant 27 : i32
    %scan3A_6 = arith.addi %scan3A, %scan3A_5 : i32
    %scan3A_7 = arith.constant 1 : i32
    scf.for %scan3A_23 = %scan3A to %scan3A_6 step %scan3A_7  : i32 {
      %mul3A_24 = arith.constant 1 : i32
      %mul3A_25 = arith.muli %scan3A_23, %mul3A_24 : i32
      %add3A_26 = arith.constant 0 : i32
      %add3A_27 = arith.addi %add3A_26, %mul3A_25 : i32
      %mul3A_28 = arith.constant 3 : i32
      %mul3A_29 = arith.muli %add3A_27, %mul3A_28 : i32
      %gt3A = arith.constant 0 : i32
      %gt3A_30 = arith.cmpi sgt, %add3A_27, %gt3A : i32
      %convert_element_type3A = arith.extui %gt3A_30 : i1 to i32
      %cond3A = arith.constant 0 : i32
      %cond3A_31 = arith.cmpi ne, %convert_element_type3A, %cond3A : i32
      scf.if %cond3A_31 {
        %dma_wait3A_107 = arith.constant 0 : i32
        %dma_wait3A_108 = arith.constant 0 : i32
        %dma_wait3A_109 = tpu.memref_slice %arg16[%dma_wait3A_107, %dma_wait3A_108] : memref<10112x128xf32, #tpu.memory_space<vmem_shared>> -> memref<10112x128xf32, #tpu.memory_space<vmem_shared>>
        tpu.wait_indirect_dma semaphore(%arg20 : memref<!tpu.dma_semaphore, #tpu.memory_space<semaphore_mem>>) src(%arg13 : memref<128x128xf32, #tpu.memory_space<vmem>>) dst(%dma_wait3A_109 : memref<10112x128xf32, #tpu.memory_space<vmem_shared>>)
      } else {
      }
      %add3A_32 = arith.constant 0 : i32
      %add3A_33 = arith.addi %mul3A_29, %add3A_32 : i32
      %mul3A_34 = arith.constant 128 : i32
      %mul3A_35 = arith.muli %add3A_33, %mul3A_34 : i32
      %add3A_36 = arith.addi %mul3A_2, %mul3A_35 : i32
      %dma_start3A = tpu.memref_slice %arg3[%add3A_36] : memref<331776xi32, #tpu.memory_space<hbm>> -> memref<128xi32, #tpu.memory_space<hbm>>
      %dma_start3A_37 = tpu.memref_slice %arg3[%add3A_36] : memref<331776xi32, #tpu.memory_space<hbm>> -> memref<128xi32, #tpu.memory_space<hbm>>
      tpu.enqueue_dma source(%dma_start3A_37 : memref<128xi32, #tpu.memory_space<hbm>>) target(%arg7 : memref<128xi32, #tpu.memory_space<vmem>>) target_semaphore(%arg23 : memref<!tpu.dma_semaphore, #tpu.memory_space<semaphore_mem>>)
      %dma_start3A_38 = tpu.memref_slice %arg4[%add3A_36] : memref<331776xi32, #tpu.memory_space<hbm>> -> memref<128xi32, #tpu.memory_space<hbm>>
      %dma_start3A_39 = tpu.memref_slice %arg4[%add3A_36] : memref<331776xi32, #tpu.memory_space<hbm>> -> memref<128xi32, #tpu.memory_space<hbm>>
      tpu.enqueue_dma source(%dma_start3A_39 : memref<128xi32, #tpu.memory_space<hbm>>) target(%arg10 : memref<128xi32, #tpu.memory_space<vmem>>) target_semaphore(%arg23 : memref<!tpu.dma_semaphore, #tpu.memory_space<semaphore_mem>>)
      %gt3A_40 = arith.constant 0 : i32
      %gt3A_41 = arith.cmpi sgt, %add3A_27, %gt3A_40 : i32
      %convert_element_type3A_42 = arith.extui %gt3A_41 : i1 to i32
      %cond3A_43 = arith.constant 0 : i32
      %cond3A_44 = arith.cmpi ne, %convert_element_type3A_42, %cond3A_43 : i32
      scf.if %cond3A_44 {
        %dma_wait3A_107 = arith.constant 0 : i32
        %dma_wait3A_108 = arith.constant 0 : i32
        %dma_wait3A_109 = tpu.memref_slice %arg16[%dma_wait3A_107, %dma_wait3A_108] : memref<10112x128xf32, #tpu.memory_space<vmem_shared>> -> memref<10112x128xf32, #tpu.memory_space<vmem_shared>>
        tpu.wait_indirect_dma semaphore(%arg21 : memref<!tpu.dma_semaphore, #tpu.memory_space<semaphore_mem>>) src(%arg14 : memref<128x128xf32, #tpu.memory_space<vmem>>) dst(%dma_wait3A_109 : memref<10112x128xf32, #tpu.memory_space<vmem_shared>>)
      } else {
      }
      %add3A_45 = arith.constant 1 : i32
      %add3A_46 = arith.addi %mul3A_29, %add3A_45 : i32
      %mul3A_47 = arith.constant 128 : i32
      %mul3A_48 = arith.muli %add3A_46, %mul3A_47 : i32
      %add3A_49 = arith.addi %mul3A_2, %mul3A_48 : i32
      %dma_start3A_50 = tpu.memref_slice %arg3[%add3A_49] : memref<331776xi32, #tpu.memory_space<hbm>> -> memref<128xi32, #tpu.memory_space<hbm>>
      %dma_start3A_51 = tpu.memref_slice %arg3[%add3A_49] : memref<331776xi32, #tpu.memory_space<hbm>> -> memref<128xi32, #tpu.memory_space<hbm>>
      tpu.enqueue_dma source(%dma_start3A_51 : memref<128xi32, #tpu.memory_space<hbm>>) target(%arg8 : memref<128xi32, #tpu.memory_space<vmem>>) target_semaphore(%arg24 : memref<!tpu.dma_semaphore, #tpu.memory_space<semaphore_mem>>)
      %dma_start3A_52 = tpu.memref_slice %arg4[%add3A_49] : memref<331776xi32, #tpu.memory_space<hbm>> -> memref<128xi32, #tpu.memory_space<hbm>>
      %dma_start3A_53 = tpu.memref_slice %arg4[%add3A_49] : memref<331776xi32, #tpu.memory_space<hbm>> -> memref<128xi32, #tpu.memory_space<hbm>>
      tpu.enqueue_dma source(%dma_start3A_53 : memref<128xi32, #tpu.memory_space<hbm>>) target(%arg11 : memref<128xi32, #tpu.memory_space<vmem>>) target_semaphore(%arg24 : memref<!tpu.dma_semaphore, #tpu.memory_space<semaphore_mem>>)
      %gt3A_54 = arith.constant 0 : i32
      %gt3A_55 = arith.cmpi sgt, %add3A_27, %gt3A_54 : i32
      %convert_element_type3A_56 = arith.extui %gt3A_55 : i1 to i32
      %cond3A_57 = arith.constant 0 : i32
      %cond3A_58 = arith.cmpi ne, %convert_element_type3A_56, %cond3A_57 : i32
      scf.if %cond3A_58 {
        %dma_wait3A_107 = arith.constant 0 : i32
        %dma_wait3A_108 = arith.constant 0 : i32
        %dma_wait3A_109 = tpu.memref_slice %arg16[%dma_wait3A_107, %dma_wait3A_108] : memref<10112x128xf32, #tpu.memory_space<vmem_shared>> -> memref<10112x128xf32, #tpu.memory_space<vmem_shared>>
        tpu.wait_indirect_dma semaphore(%arg22 : memref<!tpu.dma_semaphore, #tpu.memory_space<semaphore_mem>>) src(%arg15 : memref<128x128xf32, #tpu.memory_space<vmem>>) dst(%dma_wait3A_109 : memref<10112x128xf32, #tpu.memory_space<vmem_shared>>)
      } else {
      }
      %add3A_59 = arith.constant 2 : i32
      %add3A_60 = arith.addi %mul3A_29, %add3A_59 : i32
      %mul3A_61 = arith.constant 128 : i32
      %mul3A_62 = arith.muli %add3A_60, %mul3A_61 : i32
      %add3A_63 = arith.addi %mul3A_2, %mul3A_62 : i32
      %dma_start3A_64 = tpu.memref_slice %arg3[%add3A_63] : memref<331776xi32, #tpu.memory_space<hbm>> -> memref<128xi32, #tpu.memory_space<hbm>>
      %dma_start3A_65 = tpu.memref_slice %arg3[%add3A_63] : memref<331776xi32, #tpu.memory_space<hbm>> -> memref<128xi32, #tpu.memory_space<hbm>>
      tpu.enqueue_dma source(%dma_start3A_65 : memref<128xi32, #tpu.memory_space<hbm>>) target(%arg9 : memref<128xi32, #tpu.memory_space<vmem>>) target_semaphore(%arg25 : memref<!tpu.dma_semaphore, #tpu.memory_space<semaphore_mem>>)
      %dma_start3A_66 = tpu.memref_slice %arg4[%add3A_63] : memref<331776xi32, #tpu.memory_space<hbm>> -> memref<128xi32, #tpu.memory_space<hbm>>
      %dma_start3A_67 = tpu.memref_slice %arg4[%add3A_63] : memref<331776xi32, #tpu.memory_space<hbm>> -> memref<128xi32, #tpu.memory_space<hbm>>
      tpu.enqueue_dma source(%dma_start3A_67 : memref<128xi32, #tpu.memory_space<hbm>>) target(%arg12 : memref<128xi32, #tpu.memory_space<vmem>>) target_semaphore(%arg25 : memref<!tpu.dma_semaphore, #tpu.memory_space<semaphore_mem>>)
      %dma_wait3A_68 = tpu.memref_slice %arg3[%add3A_36] : memref<331776xi32, #tpu.memory_space<hbm>> -> memref<128xi32, #tpu.memory_space<hbm>>
      %dma_wait3A_69 = tpu.memref_slice %arg3[%add3A_36] : memref<331776xi32, #tpu.memory_space<hbm>> -> memref<128xi32, #tpu.memory_space<hbm>>
      tpu.wait_dma2 semaphore(%arg23 : memref<!tpu.dma_semaphore, #tpu.memory_space<semaphore_mem>>) src(%dma_wait3A_69 : memref<128xi32, #tpu.memory_space<hbm>>) dst(%arg7 : memref<128xi32, #tpu.memory_space<vmem>>)
      %dma_wait3A_70 = tpu.memref_slice %arg4[%add3A_36] : memref<331776xi32, #tpu.memory_space<hbm>> -> memref<128xi32, #tpu.memory_space<hbm>>
      %dma_wait3A_71 = tpu.memref_slice %arg4[%add3A_36] : memref<331776xi32, #tpu.memory_space<hbm>> -> memref<128xi32, #tpu.memory_space<hbm>>
      tpu.wait_dma2 semaphore(%arg23 : memref<!tpu.dma_semaphore, #tpu.memory_space<semaphore_mem>>) src(%dma_wait3A_71 : memref<128xi32, #tpu.memory_space<hbm>>) dst(%arg10 : memref<128xi32, #tpu.memory_space<vmem>>)
      %dma_start3A_72 = arith.constant 0 : i32
      %dma_start3A_73 = arith.constant 0 : i32
      %dma_start3A_74 = tpu.memref_slice %arg2[%dma_start3A_72, %dma_start3A_73] : memref<10000x128xf32, #tpu.memory_space<hbm>> -> memref<10000x128xf32, #tpu.memory_space<hbm>>
      tpu.enqueue_indirect_dma source(%dma_start3A_74 : memref<10000x128xf32, #tpu.memory_space<hbm>>) target(%arg13 : memref<128x128xf32, #tpu.memory_space<vmem>>) offsets(%arg7 : memref<128xi32, #tpu.memory_space<vmem>>) semaphore(%arg17 : memref<!tpu.dma_semaphore, #tpu.memory_space<semaphore_mem>>)
      %dma_wait3A_75 = tpu.memref_slice %arg3[%add3A_49] : memref<331776xi32, #tpu.memory_space<hbm>> -> memref<128xi32, #tpu.memory_space<hbm>>
      %dma_wait3A_76 = tpu.memref_slice %arg3[%add3A_49] : memref<331776xi32, #tpu.memory_space<hbm>> -> memref<128xi32, #tpu.memory_space<hbm>>
      tpu.wait_dma2 semaphore(%arg24 : memref<!tpu.dma_semaphore, #tpu.memory_space<semaphore_mem>>) src(%dma_wait3A_76 : memref<128xi32, #tpu.memory_space<hbm>>) dst(%arg8 : memref<128xi32, #tpu.memory_space<vmem>>)
      %dma_wait3A_77 = tpu.memref_slice %arg4[%add3A_49] : memref<331776xi32, #tpu.memory_space<hbm>> -> memref<128xi32, #tpu.memory_space<hbm>>
      %dma_wait3A_78 = tpu.memref_slice %arg4[%add3A_49] : memref<331776xi32, #tpu.memory_space<hbm>> -> memref<128xi32, #tpu.memory_space<hbm>>
      tpu.wait_dma2 semaphore(%arg24 : memref<!tpu.dma_semaphore, #tpu.memory_space<semaphore_mem>>) src(%dma_wait3A_78 : memref<128xi32, #tpu.memory_space<hbm>>) dst(%arg11 : memref<128xi32, #tpu.memory_space<vmem>>)
      %dma_start3A_79 = arith.constant 0 : i32
      %dma_start3A_80 = arith.constant 0 : i32
      %dma_start3A_81 = tpu.memref_slice %arg2[%dma_start3A_79, %dma_start3A_80] : memref<10000x128xf32, #tpu.memory_space<hbm>> -> memref<10000x128xf32, #tpu.memory_space<hbm>>
      tpu.enqueue_indirect_dma source(%dma_start3A_81 : memref<10000x128xf32, #tpu.memory_space<hbm>>) target(%arg14 : memref<128x128xf32, #tpu.memory_space<vmem>>) offsets(%arg8 : memref<128xi32, #tpu.memory_space<vmem>>) semaphore(%arg18 : memref<!tpu.dma_semaphore, #tpu.memory_space<semaphore_mem>>)
      %dma_wait3A_82 = tpu.memref_slice %arg3[%add3A_63] : memref<331776xi32, #tpu.memory_space<hbm>> -> memref<128xi32, #tpu.memory_space<hbm>>
      %dma_wait3A_83 = tpu.memref_slice %arg3[%add3A_63] : memref<331776xi32, #tpu.memory_space<hbm>> -> memref<128xi32, #tpu.memory_space<hbm>>
      tpu.wait_dma2 semaphore(%arg25 : memref<!tpu.dma_semaphore, #tpu.memory_space<semaphore_mem>>) src(%dma_wait3A_83 : memref<128xi32, #tpu.memory_space<hbm>>) dst(%arg9 : memref<128xi32, #tpu.memory_space<vmem>>)
      %dma_wait3A_84 = tpu.memref_slice %arg4[%add3A_63] : memref<331776xi32, #tpu.memory_space<hbm>> -> memref<128xi32, #tpu.memory_space<hbm>>
      %dma_wait3A_85 = tpu.memref_slice %arg4[%add3A_63] : memref<331776xi32, #tpu.memory_space<hbm>> -> memref<128xi32, #tpu.memory_space<hbm>>
      tpu.wait_dma2 semaphore(%arg25 : memref<!tpu.dma_semaphore, #tpu.memory_space<semaphore_mem>>) src(%dma_wait3A_85 : memref<128xi32, #tpu.memory_space<hbm>>) dst(%arg12 : memref<128xi32, #tpu.memory_space<vmem>>)
      %dma_start3A_86 = arith.constant 0 : i32
      %dma_start3A_87 = arith.constant 0 : i32
      %dma_start3A_88 = tpu.memref_slice %arg2[%dma_start3A_86, %dma_start3A_87] : memref<10000x128xf32, #tpu.memory_space<hbm>> -> memref<10000x128xf32, #tpu.memory_space<hbm>>
      tpu.enqueue_indirect_dma source(%dma_start3A_88 : memref<10000x128xf32, #tpu.memory_space<hbm>>) target(%arg15 : memref<128x128xf32, #tpu.memory_space<vmem>>) offsets(%arg9 : memref<128xi32, #tpu.memory_space<vmem>>) semaphore(%arg19 : memref<!tpu.dma_semaphore, #tpu.memory_space<semaphore_mem>>)
      %dma_wait3A_89 = arith.constant 0 : i32
      %dma_wait3A_90 = arith.constant 0 : i32
      %dma_wait3A_91 = tpu.memref_slice %arg2[%dma_wait3A_89, %dma_wait3A_90] : memref<10000x128xf32, #tpu.memory_space<hbm>> -> memref<10000x128xf32, #tpu.memory_space<hbm>>
      tpu.wait_indirect_dma semaphore(%arg17 : memref<!tpu.dma_semaphore, #tpu.memory_space<semaphore_mem>>) src(%dma_wait3A_91 : memref<10000x128xf32, #tpu.memory_space<hbm>>) dst(%arg13 : memref<128x128xf32, #tpu.memory_space<vmem>>)
      %dma_start3A_92 = arith.constant 0 : i32
      %dma_start3A_93 = arith.constant 0 : i32
      %dma_start3A_94 = tpu.memref_slice %arg16[%dma_start3A_92, %dma_start3A_93] : memref<10112x128xf32, #tpu.memory_space<vmem_shared>> -> memref<10112x128xf32, #tpu.memory_space<vmem_shared>>
      tpu.enqueue_indirect_dma source(%arg13 : memref<128x128xf32, #tpu.memory_space<vmem>>) target(%dma_start3A_94 : memref<10112x128xf32, #tpu.memory_space<vmem_shared>>) offsets(%arg10 : memref<128xi32, #tpu.memory_space<vmem>>) semaphore(%arg20 : memref<!tpu.dma_semaphore, #tpu.memory_space<semaphore_mem>>) {add = true}
      %dma_wait3A_95 = arith.constant 0 : i32
      %dma_wait3A_96 = arith.constant 0 : i32
      %dma_wait3A_97 = tpu.memref_slice %arg2[%dma_wait3A_95, %dma_wait3A_96] : memref<10000x128xf32, #tpu.memory_space<hbm>> -> memref<10000x128xf32, #tpu.memory_space<hbm>>
      tpu.wait_indirect_dma semaphore(%arg18 : memref<!tpu.dma_semaphore, #tpu.memory_space<semaphore_mem>>) src(%dma_wait3A_97 : memref<10000x128xf32, #tpu.memory_space<hbm>>) dst(%arg14 : memref<128x128xf32, #tpu.memory_space<vmem>>)
      %dma_start3A_98 = arith.constant 0 : i32
      %dma_start3A_99 = arith.constant 0 : i32
      %dma_start3A_100 = tpu.memref_slice %arg16[%dma_start3A_98, %dma_start3A_99] : memref<10112x128xf32, #tpu.memory_space<vmem_shared>> -> memref<10112x128xf32, #tpu.memory_space<vmem_shared>>
      tpu.enqueue_indirect_dma source(%arg14 : memref<128x128xf32, #tpu.memory_space<vmem>>) target(%dma_start3A_100 : memref<10112x128xf32, #tpu.memory_space<vmem_shared>>) offsets(%arg11 : memref<128xi32, #tpu.memory_space<vmem>>) semaphore(%arg21 : memref<!tpu.dma_semaphore, #tpu.memory_space<semaphore_mem>>) {add = true}
      %dma_wait3A_101 = arith.constant 0 : i32
      %dma_wait3A_102 = arith.constant 0 : i32
      %dma_wait3A_103 = tpu.memref_slice %arg2[%dma_wait3A_101, %dma_wait3A_102] : memref<10000x128xf32, #tpu.memory_space<hbm>> -> memref<10000x128xf32, #tpu.memory_space<hbm>>
      tpu.wait_indirect_dma semaphore(%arg19 : memref<!tpu.dma_semaphore, #tpu.memory_space<semaphore_mem>>) src(%dma_wait3A_103 : memref<10000x128xf32, #tpu.memory_space<hbm>>) dst(%arg15 : memref<128x128xf32, #tpu.memory_space<vmem>>)
      %dma_start3A_104 = arith.constant 0 : i32
      %dma_start3A_105 = arith.constant 0 : i32
      %dma_start3A_106 = tpu.memref_slice %arg16[%dma_start3A_104, %dma_start3A_105] : memref<10112x128xf32, #tpu.memory_space<vmem_shared>> -> memref<10112x128xf32, #tpu.memory_space<vmem_shared>>
      tpu.enqueue_indirect_dma source(%arg15 : memref<128x128xf32, #tpu.memory_space<vmem>>) target(%dma_start3A_106 : memref<10112x128xf32, #tpu.memory_space<vmem_shared>>) offsets(%arg12 : memref<128xi32, #tpu.memory_space<vmem>>) semaphore(%arg22 : memref<!tpu.dma_semaphore, #tpu.memory_space<semaphore_mem>>) {add = true}
    }
    %scan3A_8 = arith.constant 27 : i32
    %dma_wait3A = arith.constant 0 : i32
    %dma_wait3A_9 = arith.constant 0 : i32
    %dma_wait3A_10 = tpu.memref_slice %arg16[%dma_wait3A, %dma_wait3A_9] : memref<10112x128xf32, #tpu.memory_space<vmem_shared>> -> memref<10112x128xf32, #tpu.memory_space<vmem_shared>>
    tpu.wait_indirect_dma semaphore(%arg20 : memref<!tpu.dma_semaphore, #tpu.memory_space<semaphore_mem>>) src(%arg13 : memref<128x128xf32, #tpu.memory_space<vmem>>) dst(%dma_wait3A_10 : memref<10112x128xf32, #tpu.memory_space<vmem_shared>>)
    %dma_wait3A_11 = arith.constant 0 : i32
    %dma_wait3A_12 = arith.constant 0 : i32
    %dma_wait3A_13 = tpu.memref_slice %arg16[%dma_wait3A_11, %dma_wait3A_12] : memref<10112x128xf32, #tpu.memory_space<vmem_shared>> -> memref<10112x128xf32, #tpu.memory_space<vmem_shared>>
    tpu.wait_indirect_dma semaphore(%arg21 : memref<!tpu.dma_semaphore, #tpu.memory_space<semaphore_mem>>) src(%arg14 : memref<128x128xf32, #tpu.memory_space<vmem>>) dst(%dma_wait3A_13 : memref<10112x128xf32, #tpu.memory_space<vmem_shared>>)
    %dma_wait3A_14 = arith.constant 0 : i32
    %dma_wait3A_15 = arith.constant 0 : i32
    %dma_wait3A_16 = tpu.memref_slice %arg16[%dma_wait3A_14, %dma_wait3A_15] : memref<10112x128xf32, #tpu.memory_space<vmem_shared>> -> memref<10112x128xf32, #tpu.memory_space<vmem_shared>>
    tpu.wait_indirect_dma semaphore(%arg22 : memref<!tpu.dma_semaphore, #tpu.memory_space<semaphore_mem>>) src(%arg15 : memref<128x128xf32, #tpu.memory_space<vmem>>) dst(%dma_wait3A_16 : memref<10112x128xf32, #tpu.memory_space<vmem_shared>>)
    %barrier3A_17 = arith.constant 0 : index
    tpu.barrier barrier_id(%barrier3A_17)
    %mul3A_18 = arith.constant 632 : i32
    %mul3A_19 = arith.muli %arg1, %mul3A_18 : i32
    %mul3A_20 = arith.constant 10112 : i32
    %mul3A_21 = arith.muli %arg0, %mul3A_20 : i32
    %add3A_22 = arith.addi %mul3A_21, %mul3A_19 : i32
    "tpu.region"() ({
      %run_scoped3A = tpu.sem_alloc : memref<!tpu.dma_semaphore, #tpu.memory_space<semaphore_mem>>
      %dma_start3A = arith.constant 0 : i32
      %dma_start3A_23 = tpu.memref_slice %arg6[%add3A_22, %dma_start3A] : memref<20224x128xf32, #tpu.memory_space<hbm>> -> memref<632x128xf32, #tpu.memory_space<hbm>>
      %dma_start3A_24 = arith.constant 0 : i32
      %dma_start3A_25 = tpu.memref_slice %arg16[%mul3A_19, %dma_start3A_24] : memref<10112x128xf32, #tpu.memory_space<vmem_shared>> -> memref<632x128xf32, #tpu.memory_space<vmem_shared>>
      tpu.enqueue_dma source(%dma_start3A_25 : memref<632x128xf32, #tpu.memory_space<vmem_shared>>) target(%dma_start3A_23 : memref<632x128xf32, #tpu.memory_space<hbm>>) target_semaphore(%run_scoped3A : memref<!tpu.dma_semaphore, #tpu.memory_space<semaphore_mem>>)
      %dma_wait3A_26 = arith.constant 0 : i32
      %dma_wait3A_27 = tpu.memref_slice %arg6[%add3A_22, %dma_wait3A_26] : memref<20224x128xf32, #tpu.memory_space<hbm>> -> memref<632x128xf32, #tpu.memory_space<hbm>>
      %dma_wait3A_28 = arith.constant 0 : i32
      %dma_wait3A_29 = tpu.memref_slice %arg16[%mul3A_19, %dma_wait3A_28] : memref<10112x128xf32, #tpu.memory_space<vmem_shared>> -> memref<632x128xf32, #tpu.memory_space<vmem_shared>>
      tpu.wait_dma2 semaphore(%run_scoped3A : memref<!tpu.dma_semaphore, #tpu.memory_space<semaphore_mem>>) src(%dma_wait3A_29 : memref<632x128xf32, #tpu.memory_space<vmem_shared>>) dst(%dma_wait3A_27 : memref<632x128xf32, #tpu.memory_space<hbm>>)
      tpu.yield
    }) : () -> ()
    return
  }
}

module attributes {stable_mosaic.version = 14 : i64} {
  func.func @_comb_mm_body(%arg0: i32, %arg1: memref<1000x128xf32, #tpu.memory_space<vmem>>, %arg2: memref<1x1000x128xf32, #tpu.memory_space<vmem>>, %arg3: memref<1x1000x128xf32, #tpu.memory_space<vmem>>, %arg4: memref<128x128xf32, #tpu.memory_space<vmem>>, %arg5: memref<1x128xf32, #tpu.memory_space<vmem>>, %arg6: memref<1000x128xf32, #tpu.memory_space<vmem>>) attributes {dimension_semantics = [#tpu.dimension_semantics<arbitrary>], iteration_bounds = array<i64: 10>, scalar_prefetch = 0 : i64, scratch_operands = 0 : i64, tpu.core_type = #tpu.core_type<tc>, window_params = [{transform_indices = @transform_0, window_bounds = array<i64: 1000, 128>}, {transform_indices = @transform_1, window_bounds = array<i64: 1, 1000, 128>}, {transform_indices = @transform_2, window_bounds = array<i64: 1, 1000, 128>}, {pipeline_mode = #tpu.pipeline_mode<synchronous>, transform_indices = @transform_3, window_bounds = array<i64: 128, 128>}, {pipeline_mode = #tpu.pipeline_mode<synchronous>, transform_indices = @transform_4, window_bounds = array<i64: 1, 128>}, {transform_indices = @transform_5, window_bounds = array<i64: 1000, 128>}]} {
    %get3A = arith.constant 0 : index
    %get3A_0 = arith.constant 0 : index
    %get3A_1 = vector.load %arg1[%get3A, %get3A_0] : memref<1000x128xf32, #tpu.memory_space<vmem>>, vector<1000x128xf32>
    %get3A_2 = arith.constant 0 : index
    %get3A_3 = arith.constant 0 : index
    %get3A_4 = arith.constant 0 : index
    %get3A_5 = vector.load %arg2[%get3A_2, %get3A_3, %get3A_4] : memref<1x1000x128xf32, #tpu.memory_space<vmem>>, vector<1x1000x128xf32>
    %get3A_6 = vector.shape_cast %get3A_5 : vector<1x1000x128xf32> to vector<1000x128xf32>
    %add3A = arith.addf %get3A_1, %get3A_6 : vector<1000x128xf32>
    %get3A_7 = arith.constant 0 : index
    %get3A_8 = arith.constant 0 : index
    %get3A_9 = arith.constant 0 : index
    %get3A_10 = vector.load %arg3[%get3A_7, %get3A_8, %get3A_9] : memref<1x1000x128xf32, #tpu.memory_space<vmem>>, vector<1x1000x128xf32>
    %get3A_11 = vector.shape_cast %get3A_10 : vector<1x1000x128xf32> to vector<1000x128xf32>
    %add3A_12 = arith.addf %add3A, %get3A_11 : vector<1000x128xf32>
    %mul3A = arith.constant 5.000000e-01 : f32
    %mul3A_13 = vector.broadcast %mul3A : f32 to vector<1000x128xf32>
    %mul3A_14 = arith.mulf %add3A_12, %mul3A_13 : vector<1000x128xf32>
    %max3A = arith.constant 0.000000e+00 : f32
    %max3A_15 = vector.broadcast %max3A : f32 to vector<1000x128xf32>
    %max3A_16 = arith.maximumf %mul3A_14, %max3A_15 : vector<1000x128xf32>
    %get3A_17 = arith.constant 0 : index
    %get3A_18 = arith.constant 0 : index
    %get3A_19 = vector.load %arg4[%get3A_17, %get3A_18] : memref<128x128xf32, #tpu.memory_space<vmem>>, vector<128x128xf32>
    %dot_general3A = arith.constant dense<0.000000e+00> : vector<1000x128xf32>
    %dot_general3A_20 = tpu.matmul %max3A_16, %get3A_19, %dot_general3A {dimension_numbers = #tpu.dot_dimension_numbers<[1], [1], [0], [0], [0, 0, 1, 0], [], []>, transpose_lhs_hint = false} : vector<1000x128xf32>, vector<128x128xf32>, vector<1000x128xf32> -> vector<1000x128xf32>
    %get3A_21 = arith.constant 0 : index
    %get3A_22 = arith.constant 0 : index
    %get3A_23 = vector.load %arg5[%get3A_21, %get3A_22] : memref<1x128xf32, #tpu.memory_space<vmem>>, vector<1x128xf32>
    %add3A_24 = vector.broadcast %get3A_23 : vector<1x128xf32> to vector<1000x128xf32>
    %add3A_25 = arith.addf %dot_general3A_20, %add3A_24 : vector<1000x128xf32>
    %swap3A = arith.constant 0 : index
    %swap3A_26 = arith.constant 0 : index
    %swap3A_27 = vector.load %arg6[%swap3A, %swap3A_26] : memref<1000x128xf32, #tpu.memory_space<vmem>>, vector<1000x128xf32>
    tpu.vector_store %arg6[%swap3A, %swap3A_26], %add3A_25 {strides = array<i32>} : memref<1000x128xf32, #tpu.memory_space<vmem>>, vector<1000x128xf32>,
    return
  }
  func.func @transform_0(%arg0: i32) -> (i32, i32) {
    %c0_i32 = arith.constant 0 : i32
    %c0_i32_0 = arith.constant 0 : i32
    return %arg0, %c0_i32 : i32, i32
  }
  func.func @transform_1(%arg0: i32) -> (i32, i32, i32) {
    %c0_i32 = arith.constant 0 : i32
    %c0_i32_0 = arith.constant 0 : i32
    %c0_i32_1 = arith.constant 0 : i32
    return %c0_i32, %arg0, %c0_i32_0 : i32, i32, i32
  }
  func.func @transform_2(%arg0: i32) -> (i32, i32, i32) {
    %c1_i32 = arith.constant 1 : i32
    %c0_i32 = arith.constant 0 : i32
    %c0_i32_0 = arith.constant 0 : i32
    return %c1_i32, %arg0, %c0_i32 : i32, i32, i32
  }
  func.func @transform_3(%arg0: i32) -> (i32, i32) {
    %c0_i32 = arith.constant 0 : i32
    %c0_i32_0 = arith.constant 0 : i32
    %c0_i32_1 = arith.constant 0 : i32
    return %c0_i32, %c0_i32_0 : i32, i32
  }
  func.func @transform_4(%arg0: i32) -> (i32, i32) {
    %c0_i32 = arith.constant 0 : i32
    %c0_i32_0 = arith.constant 0 : i32
    %c0_i32_1 = arith.constant 0 : i32
    return %c0_i32, %c0_i32_0 : i32, i32
  }
  func.func @transform_5(%arg0: i32) -> (i32, i32) {
    %c0_i32 = arith.constant 0 : i32
    %c0_i32_0 = arith.constant 0 : i32
    return %arg0, %c0_i32 : i32, i32
  }
}

module attributes {stable_mosaic.version = 14 : i64} {
  func.func @_mm_body(%arg0: i32, %arg1: memref<1000x128xf32, #tpu.memory_space<vmem>>, %arg2: memref<128x128xf32, #tpu.memory_space<vmem>>, %arg3: memref<1x128xf32, #tpu.memory_space<vmem>>, %arg4: memref<1000x128xf32, #tpu.memory_space<vmem>>) attributes {dimension_semantics = [#tpu.dimension_semantics<arbitrary>], iteration_bounds = array<i64: 10>, scalar_prefetch = 0 : i64, scratch_operands = 0 : i64, tpu.core_type = #tpu.core_type<tc>, window_params = [{transform_indices = @transform_0, window_bounds = array<i64: 1000, 128>}, {pipeline_mode = #tpu.pipeline_mode<synchronous>, transform_indices = @transform_1, window_bounds = array<i64: 128, 128>}, {pipeline_mode = #tpu.pipeline_mode<synchronous>, transform_indices = @transform_2, window_bounds = array<i64: 1, 128>}, {transform_indices = @transform_3, window_bounds = array<i64: 1000, 128>}]} {
    %get3A = arith.constant 0 : index
    %get3A_0 = arith.constant 0 : index
    %get3A_1 = vector.load %arg1[%get3A, %get3A_0] : memref<1000x128xf32, #tpu.memory_space<vmem>>, vector<1000x128xf32>
    %get3A_2 = arith.constant 0 : index
    %get3A_3 = arith.constant 0 : index
    %get3A_4 = vector.load %arg2[%get3A_2, %get3A_3] : memref<128x128xf32, #tpu.memory_space<vmem>>, vector<128x128xf32>
    %dot_general3A = arith.constant dense<0.000000e+00> : vector<1000x128xf32>
    %dot_general3A_5 = tpu.matmul %get3A_1, %get3A_4, %dot_general3A {dimension_numbers = #tpu.dot_dimension_numbers<[1], [1], [0], [0], [0, 0, 1, 0], [], []>, transpose_lhs_hint = false} : vector<1000x128xf32>, vector<128x128xf32>, vector<1000x128xf32> -> vector<1000x128xf32>
    %get3A_6 = arith.constant 0 : index
    %get3A_7 = arith.constant 0 : index
    %get3A_8 = vector.load %arg3[%get3A_6, %get3A_7] : memref<1x128xf32, #tpu.memory_space<vmem>>, vector<1x128xf32>
    %add3A = vector.broadcast %get3A_8 : vector<1x128xf32> to vector<1000x128xf32>
    %add3A_9 = arith.addf %dot_general3A_5, %add3A : vector<1000x128xf32>
    %swap3A = arith.constant 0 : index
    %swap3A_10 = arith.constant 0 : index
    %swap3A_11 = vector.load %arg4[%swap3A, %swap3A_10] : memref<1000x128xf32, #tpu.memory_space<vmem>>, vector<1000x128xf32>
    tpu.vector_store %arg4[%swap3A, %swap3A_10], %add3A_9 {strides = array<i32>} : memref<1000x128xf32, #tpu.memory_space<vmem>>, vector<1000x128xf32>,
    return
  }
  func.func @transform_0(%arg0: i32) -> (i32, i32) {
    %c0_i32 = arith.constant 0 : i32
    %c0_i32_0 = arith.constant 0 : i32
    return %arg0, %c0_i32 : i32, i32
  }
  func.func @transform_1(%arg0: i32) -> (i32, i32) {
    %c0_i32 = arith.constant 0 : i32
    %c0_i32_0 = arith.constant 0 : i32
    %c0_i32_1 = arith.constant 0 : i32
    return %c0_i32, %c0_i32_0 : i32, i32
  }
  func.func @transform_2(%arg0: i32) -> (i32, i32) {
    %c0_i32 = arith.constant 0 : i32
    %c0_i32_0 = arith.constant 0 : i32
    %c0_i32_1 = arith.constant 0 : i32
    return %c0_i32, %c0_i32_0 : i32, i32
  }
  func.func @transform_3(%arg0: i32) -> (i32, i32) {
    %c0_i32 = arith.constant 0 : i32
    %c0_i32_0 = arith.constant 0 : i32
    return %arg0, %c0_i32 : i32, i32
  }
}

module attributes {stable_mosaic.version = 14 : i64} {
  func.func @_final_body(%arg0: i32, %arg1: memref<1000x128xf32, #tpu.memory_space<vmem>>, %arg2: memref<1x1000x128xf32, #tpu.memory_space<vmem>>, %arg3: memref<1x1000x128xf32, #tpu.memory_space<vmem>>, %arg4: memref<1000x128xf32, #tpu.memory_space<vmem>>) attributes {dimension_semantics = [#tpu.dimension_semantics<arbitrary>], iteration_bounds = array<i64: 10>, scalar_prefetch = 0 : i64, scratch_operands = 0 : i64, tpu.core_type = #tpu.core_type<tc>, window_params = [{transform_indices = @transform_0, window_bounds = array<i64: 1000, 128>}, {transform_indices = @transform_1, window_bounds = array<i64: 1, 1000, 128>}, {transform_indices = @transform_2, window_bounds = array<i64: 1, 1000, 128>}, {transform_indices = @transform_3, window_bounds = array<i64: 1000, 128>}]} {
    %get3A = arith.constant 0 : index
    %get3A_0 = arith.constant 0 : index
    %get3A_1 = vector.load %arg1[%get3A, %get3A_0] : memref<1000x128xf32, #tpu.memory_space<vmem>>, vector<1000x128xf32>
    %get3A_2 = arith.constant 0 : index
    %get3A_3 = arith.constant 0 : index
    %get3A_4 = arith.constant 0 : index
    %get3A_5 = vector.load %arg2[%get3A_2, %get3A_3, %get3A_4] : memref<1x1000x128xf32, #tpu.memory_space<vmem>>, vector<1x1000x128xf32>
    %get3A_6 = vector.shape_cast %get3A_5 : vector<1x1000x128xf32> to vector<1000x128xf32>
    %add3A = arith.addf %get3A_1, %get3A_6 : vector<1000x128xf32>
    %get3A_7 = arith.constant 0 : index
    %get3A_8 = arith.constant 0 : index
    %get3A_9 = arith.constant 0 : index
    %get3A_10 = vector.load %arg3[%get3A_7, %get3A_8, %get3A_9] : memref<1x1000x128xf32, #tpu.memory_space<vmem>>, vector<1x1000x128xf32>
    %get3A_11 = vector.shape_cast %get3A_10 : vector<1x1000x128xf32> to vector<1000x128xf32>
    %add3A_12 = arith.addf %add3A, %get3A_11 : vector<1000x128xf32>
    %mul3A = arith.constant 5.000000e-01 : f32
    %mul3A_13 = vector.broadcast %mul3A : f32 to vector<1000x128xf32>
    %mul3A_14 = arith.mulf %add3A_12, %mul3A_13 : vector<1000x128xf32>
    %swap3A = arith.constant 0 : index
    %swap3A_15 = arith.constant 0 : index
    %swap3A_16 = vector.load %arg4[%swap3A, %swap3A_15] : memref<1000x128xf32, #tpu.memory_space<vmem>>, vector<1000x128xf32>
    tpu.vector_store %arg4[%swap3A, %swap3A_15], %mul3A_14 {strides = array<i32>} : memref<1000x128xf32, #tpu.memory_space<vmem>>, vector<1000x128xf32>,
    return
  }
  func.func @transform_0(%arg0: i32) -> (i32, i32) {
    %c0_i32 = arith.constant 0 : i32
    %c0_i32_0 = arith.constant 0 : i32
    return %arg0, %c0_i32 : i32, i32
  }
  func.func @transform_1(%arg0: i32) -> (i32, i32, i32) {
    %c0_i32 = arith.constant 0 : i32
    %c0_i32_0 = arith.constant 0 : i32
    %c0_i32_1 = arith.constant 0 : i32
    return %c0_i32, %arg0, %c0_i32_0 : i32, i32, i32
  }
  func.func @transform_2(%arg0: i32) -> (i32, i32, i32) {
    %c1_i32 = arith.constant 1 : i32
    %c0_i32 = arith.constant 0 : i32
    %c0_i32_0 = arith.constant 0 : i32
    return %c1_i32, %arg0, %c0_i32 : i32, i32, i32
  }
  func.func @transform_3(%arg0: i32) -> (i32, i32) {
    %c0_i32 = arith.constant 0 : i32
    %c0_i32_0 = arith.constant 0 : i32
    return %arg0, %c0_i32 : i32, i32
  }
}

</mosaic_0001>

<sc_bundles>
// kernel: kernel.10.cloned.1.call-start
scs
__scs_entry_jumppad:
0x0: {  	(pc) =	sbr.rel $0x88, $3  }
0x1: {  	(tag) =	ssettag $0x0;
	lr =	simm.s32 $0x1  }
0x2: {  	[smem:$0x3F9B] =	sst lr;
	_ =	strace $0xD0000000  }
0x3: {  	_ = 	snop  }
0x4: {  	_ = 	snop  }
0x5: {  	_ = 	snop  }
0x6: {  	_ = 	snop  }
0x7: {  	_ = 	snop  }
__scs_overlays_trampoline_lowered:
0x8: {  	[smem:$0x3FAA] =	sst s0  }
0x9: {  	[smem:$0x3FAB] =	sst s1  }
0xa: {  	[smem:$0x3FAC] =	sst s2  }
0xb: {  	[smem:$0x3FAD] =	sst s3  }
0xc: {  	[smem:$0x3FAE] =	sst s4  }
0xd: {  	[smem:$0x3FAF] =	sst s5  }
0xe: {  	[smem:$0x3FB0] =	sst s6  }
0xf: {  	[smem:$0x3FB1] =	sst s7  }
0x10: {  	[smem:$0x3FB2] =	sst s8  }
0x11: {  	[smem:$0x3FB3] =	sst s9;
	s0 =	simm.s32 @!p0 $0x0  }
0x12: {  	s1 =	sld [smem:$0x3F99];
	s0 =	simm.s32 @p0 $0x1  }
0x13: {  	[smem:$0x3FB4] =	sst s0;
	s0 =	simm.s32 @!p1 $0x0  }
0x14: {  	s2 =	sld [smem:$0x3F98];
	s0 =	simm.s32 @p1 $0x1  }
0x15: {  	[smem:$0x3FB5] =	sst s0;
	s0 =	simm.s32 @!p2 $0x0  }
0x16: {  	s3 =	sld [smem:$0x3FDB];
	s0 =	simm.s32 @p2 $0x1  }
0x17: {  	s4 =	simm.s32 $0x1BF5;
	[smem:$0x3FB7] =	sst s0  }
0x18: {  	s0 =	sld [smem:$0x3F9A];
	_ =	swait.ge [sflag:s4], $0x0  }
0x19: {  	s7 =	sld [smem:$0x3F9B]  }
0x1a: {  	s8 =	sadd.s32 $0xFFFFE003, lr  }
0x1b: {  	s9 =	sadd.s32 $0xFFFFFEF7, lr;
	s5 =	simm.s32 $0xFFFFFFFF;
	p2 =	slt.u32 s8, $0xFFFFF086  }
0x1c: {  	p1 =	slt.u32 s9, $0xF7A;
	s5 =	simm.s32 @!p2 $0x0  }
0x1d: {  	s5 =	simm.s32 @p1 $0x1;
	p0 =	seq.s32 s7, s2  }
0x1e: {  	s7 =	smul.u32 @!p0 $0xF7A, s2;
	p2 =	seq.s32 @!p0 s5, $0x0  }
0x1f: {  	s9 =	smul.u32 $0xF7A, s1;
	s8 =	simm.s32 @!p0 $0x1BF5;
	p2 =	por !p2, p0  }
0x20: {  	[sflag:s8] =	ssyncset.s32 @!p0 $0xFFFFF086;
	s6 =	sadd.s32 @!p0 s3, s7;
	s7 =	simm.s32 @!p0 $0x108  }
0x21: {  	s3 =	sadd.s32 s3, s9;
	s6 =	sadd.s32 @!p0 $0x88, s6;
	s7 =	simm.s32 @p2 $0x1082  }
0x22: {  	[simem:s7], [sflag:s8] =	dma.local @!p0 [hbm:s6], $0xF7A  }
0x23: {  	s9 =	sor.u32 $0xD0000000, s2;
	s6 =	simm.s32 $0x108;
	_ =	swait.ge @!p0 [sflag:s8], $0x0  }
0x24: {  	s3 =	sadd.s32 $0x88, s3;
	s6 =	simm.s32 @!p1 $0x1082;
	[sflag:s4] =	ssyncset.s32 $0xFFFFF086  }
0x25: {  	[simem:s6], [sflag:s4] =	dma.local [hbm:s3], $0xF7A  }
0x26: {  	[smem:$0x3F9B] =	sst s1;
	(tag) =	ssettag s2;
	_ =	strace s9  }
0x27: {  	s1 =	sld [smem:$0x3FAB]  }
0x28: {  	s2 =	sld [smem:$0x3FAC]  }
0x29: {  	s4 =	sld [smem:$0x3FAE]  }
0x2a: {  	p0 =	seq.s32 s5, $0x0;
	s5 =	sld [smem:$0x3FAF]  }
0x2b: {  	s6 =	sld [smem:$0x3FB0]  }
0x2c: {  	s7 =	sld [smem:$0x3FB1]  }
0x2d: {  	s3 =	simm.s32 $0x108;
	s8 =	sld [smem:$0x3FB2]  }
0x2e: {  	s3 =	simm.s32 @!p0 $0x1082;
	s9 =	sld [smem:$0x3FB3]  }
0x2f: {  	lr =	sadd.s32 s0, s3;
	s0 =	sld [smem:$0x3FAA]  }
0x30: {  	s3 =	sld [smem:$0x3FAD]  }
0x31: {  	[smem:$0x3FB6] =	sst s10  }
0x32: {  	s10 =	sld [smem:$0x3FB4];
	_ =	sdelay $0x3  }
0x33: {  	p0 =	seq.s32 s10, $0x1;
	s10 =	sld [smem:$0x3FB6];
	_ =	sdelay $0x3  }
0x34: {  	[smem:$0x3FB6] =	sst s10  }
0x35: {  	s10 =	sld [smem:$0x3FB5];
	_ =	sdelay $0x3  }
0x36: {  	p1 =	seq.s32 s10, $0x1;
	s10 =	sld [smem:$0x3FB6];
	_ =	sdelay $0x3  }
0x37: {  	[smem:$0x3FB6] =	sst s10  }
0x38: {  	s10 =	sld [smem:$0x3FB7]  }
0x39: {  	_ = 	snop;
	(pc) =	sbr.ind lr, $3  }
0x3a: {  	_ = 	snop  }
0x3b: {  	_ = 	snop  }
0x3c: {  	p2 =	seq.s32 s10, $0x1;
	s10 =	sld [smem:$0x3FB6]  }
0x3d: {  	_ =	shalt  }
0x3e: {  	_ =	shalt  }
0x3f: {  	_ =	shalt  }
0x40: {  	_ =	shalt  }
0x41: {  	_ =	shalt  }
0x42: {  	_ =	shalt  }
0x43: {  	_ =	shalt  }
0x44: {  	_ =	shalt  }
0x45: {  	_ =	shalt  }
0x46: {  	_ =	shalt  }
0x47: {  	_ =	shalt  }
0x48: {  	_ =	shalt  }
0x49: {  	_ =	shalt  }
0x4a: {  	_ =	shalt  }
0x4b: {  	_ =	shalt  }
0x4c: {  	_ =	shalt  }
0x4d: {  	_ =	shalt  }
0x4e: {  	_ =	shalt  }
0x4f: {  	_ =	shalt  }
0x50: {  	_ =	shalt  }
0x51: {  	_ =	shalt  }
0x52: {  	_ =	shalt  }
0x53: {  	_ =	shalt  }
0x54: {  	_ =	shalt  }
0x55: {  	_ =	shalt  }
0x56: {  	_ =	shalt  }
0x57: {  	_ =	shalt  }
0x58: {  	_ =	shalt  }
0x59: {  	_ =	shalt  }
0x5a: {  	_ =	shalt  }
0x5b: {  	_ =	shalt  }
0x5c: {  	_ =	shalt  }
0x5d: {  	_ =	shalt  }
0x5e: {  	_ =	shalt  }
0x5f: {  	_ =	shalt  }
0x60: {  	_ =	shalt  }
0x61: {  	_ =	shalt  }
0x62: {  	_ =	shalt  }
0x63: {  	_ =	shalt  }
0x64: {  	_ =	shalt  }
0x65: {  	_ =	shalt  }
0x66: {  	_ =	shalt  }
0x67: {  	_ =	shalt  }
0x68: {  	_ =	shalt  }
0x69: {  	_ =	shalt  }
0x6a: {  	_ =	shalt  }
0x6b: {  	_ =	shalt  }
0x6c: {  	_ =	shalt  }
0x6d: {  	_ =	shalt  }
0x6e: {  	_ =	shalt  }
0x6f: {  	_ =	shalt  }
0x70: {  	_ =	shalt  }
0x71: {  	_ =	shalt  }
0x72: {  	_ =	shalt  }
0x73: {  	_ =	shalt  }
0x74: {  	_ =	shalt  }
0x75: {  	_ =	shalt  }
0x76: {  	_ =	shalt  }
0x77: {  	_ =	shalt  }
0x78: {  	_ =	shalt  }
0x79: {  	_ =	shalt  }
0x7a: {  	_ =	shalt  }
0x7b: {  	_ =	shalt  }
0x7c: {  	_ =	shalt  }
0x7d: {  	_ =	shalt  }
0x7e: {  	_ =	shalt  }
0x7f: {  	_ =	shalt  }
0x80: {  	_ =	shalt  }
0x81: {  	_ =	shalt  }
0x82: {  	_ =	shalt  }
0x83: {  	_ =	shalt  }
0x84: {  	_ =	shalt  }
0x85: {  	_ =	shalt  }
0x86: {  	_ =	shalt  }
0x87: {  	_ =	shalt  }
.Lfunc_end0:
.L_simem_size_0:
called_computation.1_lowered:
.L_overlay_start_0:
0x88: {  	s2 =	sld [smem:$0x3FD9]  }
0x89: {  	s3 =	sld [smem:$0x3FFE];
	_ =	sdelay $0x1  }
0x8a: {  	s1 =	srdreg.scid  }
0x8b: {  	s0 =	sand.u32 $0x1, s1  }
0x8c: {  	s17 =	sshll.u32 s0, $0xA;
	s2 =	sadd.s32 s3, s2  }
0x8d: {  	s2 =	sadd.s32 s2, s17  }
0x8e: {  	[smem:$0x3FC2] =	sst s2  }
0x8f: {  	_ = 	snop  }
0x90: {  	s2 =	sld [smem:$0x3FD0];
	(tm) =	ssettm $0x1  }
0x91: {  	s18 =	sld [smem:$0x3FFB];
	_ =	sdelay $0x3  }
0x92: {  	_ =	strace s18  }
0x93: {  	s3 =	sld [smem:$0x3FFC];
	_ =	sdelay $0x3  }
0x94: {  	_ =	strace s3  }
0x95: {  	s3 =	sld [smem:$0x3FFD];
	_ =	sdelay $0x3  }
0x96: {  	_ =	strace s3  }
0x97: {  	_ =	strace $0x8FFFFFFF  }
0x98: {  	s19 =	sld [smem:$0x3FDB];
	_ =	sdelay $0x1  }
0x99: {  	s4 =	simm.s32 $_scs_section_size  }
0x9a: {  	s5 =	simm.s32 $_size__tile_overlayer_lowered;
	s6 =	simm.s32 $_tile_overlayer_lowered  }
0x9b: {  	s22 =	simm.s32 $0x1BFF;
	s21 =	sshll.u32 s6, $0x1;
	s3 =	sadd.s32 s4, s19  }
0x9c: {  	s7 =	simm.s32 $0x0;
	s20 =	sshll.u32 s5, $0x1;
	s5 =	sadd.s32 s21, s3  }
0x9d: {  	[timem:s7], [sflag:s22] =	dma.local [hbm:s5], s20  }
0x9e: {  	_ =	swait.ge [sflag:s22], s20  }
0x9f: {  	s4 =	ssub.s32 $0x0, s20;
	[sflag:s22] =	ssyncset.done $0x0  }
0xa0: {  	[sflag:s22] =	ssyncadd.s32 s4;
	_ =	sdelay $0x1  }
0xa1: {  	s23 =	simm.s32 $0x1B8B  }
0xa2: {  	_ =	swait.ge [sflag:s23], $0x1  }
0xa3: {  	[sflag:s23] =	ssyncset.done $0x0  }
0xa4: {  	s25 =	simm.s32 $0x1B8E;
	s24 =	sld [smem:$0x3FFE];
	[sflag:s23] =	ssyncadd.s32 $0xFFFFFFFF  }
0xa5: {  	s26 =	simm.s32 $execute0_lowered;
	[smem:$0x3FD2] =	sst s25  }
0xa6: {  	s5 =	sshll.u32 s26, $0x1;
	_ =	strace $0x80000049;
	[dreg:$0x1] =	wrdreg $0xFFFFFFFF  }
0xa7: {  	s28 =	simm.s32 $_size_execute0_lowered;
	s3 =	sadd.s32 s3, s5;
	[dreg:$0x0] =	wrdreg $0x0  }
0xa8: {  	s5 =	sshll.u32 s28, $0x1;
	[dreg:$0x2] =	wrdreg s3  }
0xa9: {  	[dreg:$0x3] =	wrdreg s5  }
0xaa: {  	[dreg:$0x4] =	wrdreg $0xC0  }
0xab: {  	_ =	task [dreg:s7], $0x5FFFF  }
0xac: {  	[dreg:$0x1] =	wrdreg $0xFFFFFFFF  }
0xad: {  	[dreg:$0x0] =	wrdreg $0x60  }
0xae: {  	[dreg:$0x2] =	wrdreg s2  }
0xaf: {  	[dreg:$0x3] =	wrdreg s24  }
0xb0: {  	[dreg:$0x4] =	wrdreg $0xC3000  }
0xb1: {  	[dreg:$0x5] =	wrdreg $0x9  }
0xb2: {  	_ =	task.clear_ibuf [dreg:s7], $0x6FFFF;
	_ =	strace $0x90000049  }
0xb3: {  	s29 =	simm.s32 $0x9;
	_ =	strace $0x8000004B  }
0xb4: {  	_ =	swait.ge [sflag:s29], $0x1  }
0xb5: {  	[sflag:s29] =	ssyncadd.s32 $0xFFFFFFFF  }
0xb6: {  	_ =	strace $0x9000004B  }
0xb7: {  	_ =	sfence  }
0xb8: {  	s30 =	sld [smem:$0x0];
	_ =	sdelay $0x2  }
0xb9: {  	s31 =	sshll.u32 s1, $0xD;
	s1 =	sshrl.u32 s1, $0x2  }
0xba: {  	s3 =	sand.u32 $0x4000, s31;
	s1 =	sadd.s32 s1, s30  }
0xbb: {  	s0 =	sor.u32 s3, s0;
	s1 =	sshll.u32 s1, $0x11  }
0xbc: {  	s0 =	sor.u32 s1, s0  }
0xbd: {  	s0 =	sadd.s32 $0x8F2B, s0  }
0xbe: {  	[sflag:s0] =	ssyncadd.remote.s32 $0x1  }
0xbf: {  	_ =	sfence.sel $0xFFFF  }
0xc0: {  	[dreg:$0x0] =	wrdreg $0xFFFFFFFF;
	(pc) =	sbr.abs _section_cstart, $3  }
0xc1: {  	[dreg:$0x1] =	wrdreg $0xFFFFFFFF  }
0xc2: {  	_ =	task.clear_ibuf [dreg:s7], $0x2FFFF;
	_ =	strace $0x9FFFFFFF  }
0xc3: {  	(tm) =	ssettm $0x7FFFFFFF  }
tec
execute0_lowered:
.L_overlay_start_1:
0x0: {  	(tag) =	ssettag $0x1  }
0x1: {  	s1 =	rddreg [dreg:$0x0]  }
0x2: {  	s0 =	rddreg [dreg:$0x1]  }
0x3: {  	s3 =	rddreg [dreg:$0x2];
	s4 =	simm.s32 $0x0;
	s2 =	srdreg.scid  }
0x4: {  	s12 =	stileid.u32;
	s14 =	simm.s32 $0xA;
	s15 =	simm.s32 $0x180  }
0x5: {  	s16 =	simm.s32 $0x80;
	s17 =	simm.s32 $0x200;
	s28 =	simm.s32 $0x2  }
0x6: {  	s29 =	simm.s32 $0x3;
	[smem:$0x7FF] =	sst s4;
	s5 =	smul.u32 $0x2780, s12  }
0x7: {  	s2 =	sand.u32 $0x1, s2;
	s7 =	sadd.s32 $0x1E00, s0;
	s18 =	smul.u32 $0x2880, s12  }
0x8: {  	s11 =	sadd.s32 $0xC000, s0;
	s9 =	sadd.s32 $0x16200, s0;
	s10 =	smul.u32 $0x4F000, s12  }
0x9: {  	s22 =	sshll.u32 s12, $0x6;
	_ =	strace $0x8000004A;
	s6 =	smul.u32 $0x27800, s2  }
0xa: {  	s8 =	smul.u32 $0x28800, s2;
	[dreg:$0x6] =	wrdreg s9;
	s2 =	ssub.s32 $0x2, s2  }
0xb: {  	s19 =	sshrl.u32 s2, $0x1;
	s21 =	sshrl.u32 s10, $0x2;
	s5 =	sadd.s32 s5, s6  }
0xc: {  	s2 =	ssub.s32 s2, s19;
	s20 =	sadd.s32 s18, s8;
	s13 =	sadd.s32 s21, s3  }
0xd: {  	s6 =	sor.u32 $0x1C0A, s22;
	s18 =	simm.s32 $0x100;
	s19 =	simm.s32 $0x280  }
0xe: {  	s21 =	simm.s32 $0x300;
	s22 =	simm.s32 $0x8;
	s0 =	sadd.s32 s5, s0  }
0xf: {  	s9 =	sadd.s32 $0x100, s20;
	s23 =	smax.u32 s2, $0x1;
	s26 =	sadd.s32 $0x80, s20  }
0x10: {  	s31 =	sshrl.u32 s20, $0x3;
	s13 =	sshrl.u32 s13, $0x3;
	s20 =	simm.s32 $0x7  }
0x11: {  	s2 =	simm.s32 $0x0;
	s9 =	sshrl.u32 s9, $0x3;
	s0 =	sadd.s32 $0x18A00, s0  }
0x12: {  	[dreg:$0x8] =	wrdreg s23;
	s30 =	sshrl.u32 s26, $0x3;
	s12 =	sadd.s32 s31, s7  }
0x13: {  	s23 =	simm.s32 $0x4300;
	s26 =	simm.s32 $0x1;
	[dreg:$0x7] =	wrdreg s0  }
0x14: {  	s24 =	sadd.s32 s9, s11;
	s25 =	sadd.s32 s9, s7;
	s9 =	sadd.s32 s30, s11  }
0x15: {  	s10 =	sadd.s32 s30, s7;
	s11 =	sadd.s32 s31, s11;
	[dreg:$0x4] =	wrdreg s24  }
0x16: {  	[dreg:$0x5] =	wrdreg s25;
	s24 =	simm.s32 $0x9;
	s25 =	simm.s32 $0x8300  }
.LBB2_1:
0x17: {  	s0 =	rddreg [dreg:$0x6]  }
0x18: {  	[spmem:s13], [sflag:s6] =	dma.local [hbm:s0], $0x2780  }
0x19: {  	_ =	swait.ge [sflag:s14], $0x2780  }
0x1a: {  	[sflag:s14] =	ssyncset.done $0x0  }
0x1b: {  	p0 =	por $0x1, $0x1;
	[sflag:s14] =	ssyncadd.s32 $0xFFFFD880  }
0x1c: {  	s5 =	simm.s32 @!p0 $0x4;
	[bflag:$0x0] =	sbarrier.arrive $0xFFFF  }
0x1d: {  	_ =	swait.ge @!p0 [sflag:s5], $0x4000  }
0x1e: {  	[sflag:s5] =	ssyncset.done @!p0 $0x0  }
0x1f: {  	s31 =	sadd.s32 $0x0, s12;
	[sflag:s5] =	ssyncadd.s32 @!p0 $0xFFFFC000  }
0x20: {  	[tilespmem:s4], [sflag:$0x7] =	stream.linear.gather [hbm4b:s31+s4], $0x80, $0x38;
	[tilespmem:$0x1FF00] =	vst v63  }
0x21: {  	s0 =	sadd.s32 $0x0, s11;
	s7 =	simm.s32 @!p0 $0x5  }
0x22: {  	[tilespmem:s15], [sflag:$0x7] =	stream.linear.gather [hbm4b:s0+s4], $0x80, $0x38;
	[tilespmem:$0x1FF00] =	vst v63  }
0x23: {  	_ =	swait.ge @!p0 [sflag:s7], $0x4000  }
0x24: {  	[sflag:s7] =	ssyncset.done @!p0 $0x0  }
0x25: {  	[sflag:s7] =	ssyncadd.s32 @!p0 $0xFFFFC000;
	s7 =	sadd.s32 $0x0, s10  }
0x26: {  	[tilespmem:s16], [sflag:$0x8] =	stream.linear.gather [hbm4b:s7+s4], $0x80, $0x38;
	[tilespmem:$0x1FF00] =	vst v63  }
0x27: {  	s8 =	sadd.s32 $0x0, s9;
	s7 =	simm.s32 @!p0 $0x6  }
0x28: {  	[tilespmem:s17], [sflag:$0x8] =	stream.linear.gather [hbm4b:s8+s4], $0x80, $0x38;
	[tilespmem:$0x1FF00] =	vst v63  }
0x29: {  	_ =	swait.ge @!p0 [sflag:s7], $0x4000  }
0x2a: {  	s30 =	rddreg [dreg:$0x5];
	[sflag:s7] =	ssyncset.done @!p0 $0x0  }
0x2b: {  	s8 =	rddreg [dreg:$0x4];
	[sflag:s7] =	ssyncadd.s32 @!p0 $0xFFFFC000;
	s5 =	sadd.s32 $0x0, s30  }
0x2c: {  	[tilespmem:s18], [sflag:$0x9] =	stream.linear.gather [hbm4b:s5+s4], $0x80, $0x38;
	[tilespmem:$0x1FF00] =	vst v63  }
0x2d: {  	s31 =	sadd.s32 $0x0, s8  }
0x2e: {  	[tilespmem:s19], [sflag:$0x9] =	stream.linear.gather [hbm4b:s31+s4], $0x80, $0x38;
	[tilespmem:$0x1FF00] =	vst v63  }
0x2f: {  	_ =	swait.ge [sflag:s20], $0x80  }
0x30: {  	[sflag:s20] =	ssyncset.done $0x0  }
0x31: {  	[sflag:s20] =	ssyncadd.s32 $0xFFFFFF80  }
0x32: {  	_ =	swait.ge [sflag:s20], $0x80  }
0x33: {  	[sflag:s20] =	ssyncset.done $0x0  }
0x34: {  	[sflag:s20] =	ssyncadd.s32 $0xFFFFFF80  }
0x35: {  	[tilespmem:s21], [sflag:$0x1] =	stream.indirect.gather [hbm4b:s1+s16], $0x80, s4, s16, $0xb8;
	[tilespmem:$0x1FF00] =	vst v63  }
0x36: {  	_ =	swait.ge [sflag:s22], $0x80  }
0x37: {  	[sflag:s22] =	ssyncset.done $0x0  }
0x38: {  	[sflag:s22] =	ssyncadd.s32 $0xFFFFFF80  }
0x39: {  	_ =	swait.ge [sflag:s22], $0x80  }
0x3a: {  	[sflag:s22] =	ssyncset.done $0x0  }
0x3b: {  	[sflag:s22] =	ssyncadd.s32 $0xFFFFFF80  }
0x3c: {  	[tilespmem:s23], [sflag:$0x2] =	stream.indirect.gather [hbm4b:s1+s16], $0x80, s16, s16, $0xb8;
	[tilespmem:$0x1FF00] =	vst v63  }
0x3d: {  	_ =	swait.ge [sflag:s24], $0x80  }
0x3e: {  	[sflag:s24] =	ssyncset.done $0x0  }
0x3f: {  	[sflag:s24] =	ssyncadd.s32 $0xFFFFFF80  }
0x40: {  	_ =	swait.ge [sflag:s24], $0x80  }
0x41: {  	[sflag:s24] =	ssyncset.done $0x0  }
0x42: {  	[sflag:s24] =	ssyncadd.s32 $0xFFFFFF80  }
0x43: {  	[tilespmem:s25], [sflag:$0x3] =	stream.indirect.gather [hbm4b:s1+s16], $0x80, s18, s16, $0xb8;
	[tilespmem:$0x1FF00] =	vst v63  }
0x44: {  	_ =	swait.ge [sflag:s26], $0x4000  }
0x45: {  	[sflag:s26] =	ssyncset.done $0x0  }
0x46: {  	[sflag:s26] =	ssyncadd.s32 $0xFFFFC000  }
0x47: {  	[spmem:s3] =	stream.indirect.scatter.add.f32 [tilespmem:s21], [sflag:$0x4], $0x80, s15, s16, $0xb8;
	[tilespmem:$0x1FF00] =	vst v63  }
0x48: {  	_ =	swait.ge [sflag:s28], $0x4000  }
0x49: {  	[sflag:s28] =	ssyncset.done $0x0  }
0x4a: {  	[sflag:s28] =	ssyncadd.s32 $0xFFFFC000  }
0x4b: {  	[spmem:s3] =	stream.indirect.scatter.add.f32 [tilespmem:s23], [sflag:$0x5], $0x80, s17, s16, $0xb8;
	[tilespmem:$0x1FF00] =	vst v63  }
0x4c: {  	p1 =	por $0x0, $0x0;
	_ =	swait.ge [sflag:s29], $0x4000  }
0x4d: {  	s7 =	simm.s32 $0x60;
	s5 =	simm.s32 $0x30;
	[sflag:s29] =	ssyncset.done $0x0  }
.LBB2_2:
0x4e: {  	s8 =	simm.s32 @!p1 $0x4;
	[sflag:s29] =	ssyncadd.s32 $0xFFFFC000  }
0x4f: {  	[spmem:s3] =	stream.indirect.scatter.add.f32 [tilespmem:s25], [sflag:$0x6], $0x80, s19, s16, $0xb8;
	[tilespmem:$0x1FF00] =	vst v63  }
0x50: {  	_ =	swait.ge @!p1 [sflag:s8], $0x4000  }
0x51: {  	[sflag:s8] =	ssyncset.done @!p1 $0x0  }
0x52: {  	s31 =	sadd.s32 s5, s12;
	[sflag:s8] =	ssyncadd.s32 @!p1 $0xFFFFC000  }
0x53: {  	[tilespmem:s4], [sflag:$0x7] =	stream.linear.gather [hbm4b:s31+s4], $0x80, $0x38;
	[tilespmem:$0x1FF00] =	vst v63  }
0x54: {  	s0 =	sadd.s32 s5, s11;
	s31 =	simm.s32 @!p1 $0x5  }
0x55: {  	[tilespmem:s15], [sflag:$0x7] =	stream.linear.gather [hbm4b:s0+s4], $0x80, $0x38;
	[tilespmem:$0x1FF00] =	vst v63  }
0x56: {  	_ =	swait.ge @!p1 [sflag:s31], $0x4000  }
0x57: {  	[sflag:s31] =	ssyncset.done @!p1 $0x0  }
0x58: {  	[sflag:s31] =	ssyncadd.s32 @!p1 $0xFFFFC000;
	s31 =	sadd.s32 s5, s10  }
0x59: {  	[tilespmem:s16], [sflag:$0x8] =	stream.linear.gather [hbm4b:s31+s4], $0x80, $0x38;
	[tilespmem:$0x1FF00] =	vst v63  }
0x5a: {  	s0 =	sadd.s32 s5, s9;
	s31 =	simm.s32 @!p1 $0x6  }
0x5b: {  	[tilespmem:s17], [sflag:$0x8] =	stream.linear.gather [hbm4b:s0+s4], $0x80, $0x38;
	[tilespmem:$0x1FF00] =	vst v63  }
0x5c: {  	_ =	swait.ge @!p1 [sflag:s31], $0x4000  }
0x5d: {  	s8 =	rddreg [dreg:$0x5];
	[sflag:s31] =	ssyncset.done @!p1 $0x0  }
0x5e: {  	s0 =	rddreg [dreg:$0x4];
	[sflag:s31] =	ssyncadd.s32 @!p1 $0xFFFFC000;
	s8 =	sadd.s32 s5, s8  }
0x5f: {  	[tilespmem:s18], [sflag:$0x9] =	stream.linear.gather [hbm4b:s8+s4], $0x80, $0x38;
	[tilespmem:$0x1FF00] =	vst v63  }
0x60: {  	s0 =	sadd.s32 s5, s0  }
0x61: {  	[tilespmem:s19], [sflag:$0x9] =	stream.linear.gather [hbm4b:s0+s4], $0x80, $0x38;
	[tilespmem:$0x1FF00] =	vst v63  }
0x62: {  	_ =	swait.ge [sflag:s20], $0x80  }
0x63: {  	[sflag:s20] =	ssyncset.done $0x0  }
0x64: {  	[sflag:s20] =	ssyncadd.s32 $0xFFFFFF80  }
0x65: {  	_ =	swait.ge [sflag:s20], $0x80  }
0x66: {  	[sflag:s20] =	ssyncset.done $0x0  }
0x67: {  	[sflag:s20] =	ssyncadd.s32 $0xFFFFFF80  }
0x68: {  	[tilespmem:s21], [sflag:$0x1] =	stream.indirect.gather [hbm4b:s1+s16], $0x80, s4, s16, $0xb8;
	[tilespmem:$0x1FF00] =	vst v63  }
0x69: {  	_ =	swait.ge [sflag:s22], $0x80  }
0x6a: {  	[sflag:s22] =	ssyncset.done $0x0  }
0x6b: {  	[sflag:s22] =	ssyncadd.s32 $0xFFFFFF80  }
0x6c: {  	_ =	swait.ge [sflag:s22], $0x80  }
0x6d: {  	[sflag:s22] =	ssyncset.done $0x0  }
0x6e: {  	[sflag:s22] =	ssyncadd.s32 $0xFFFFFF80  }
0x6f: {  	[tilespmem:s23], [sflag:$0x2] =	stream.indirect.gather [hbm4b:s1+s16], $0x80, s16, s16, $0xb8;
	[tilespmem:$0x1FF00] =	vst v63  }
0x70: {  	_ =	swait.ge [sflag:s24], $0x80  }
0x71: {  	[sflag:s24] =	ssyncset.done $0x0  }
0x72: {  	[sflag:s24] =	ssyncadd.s32 $0xFFFFFF80  }
0x73: {  	_ =	swait.ge [sflag:s24], $0x80  }
0x74: {  	[sflag:s24] =	ssyncset.done $0x0  }
0x75: {  	[sflag:s24] =	ssyncadd.s32 $0xFFFFFF80  }
0x76: {  	[tilespmem:s25], [sflag:$0x3] =	stream.indirect.gather [hbm4b:s1+s16], $0x80, s18, s16, $0xb8;
	[tilespmem:$0x1FF00] =	vst v63  }
0x77: {  	_ =	swait.ge [sflag:s26], $0x4000  }
0x78: {  	[sflag:s26] =	ssyncset.done $0x0  }
0x79: {  	s30 =	smov.u32 s7;
	s7 =	sadd.s32 $0x30, s7;
	[sflag:s26] =	ssyncadd.s32 $0xFFFFC000  }
0x7a: {  	[spmem:s3] =	stream.indirect.scatter.add.f32 [tilespmem:s21], [sflag:$0x4], $0x80, s15, s16, $0xb8;
	[tilespmem:$0x1FF00] =	vst v63  }
0x7b: {  	p0 =	sne.s32 s7, $0x510;
	_ =	swait.ge [sflag:s28], $0x4000  }
.Ltmp0:
0x7c: {  	[sflag:s28] =	ssyncset.done $0x0;
	(pc) =	sbr.rel @p0 .LBB2_2-.Ltmp0, $4  }
0x7d: {  	[sflag:s28] =	ssyncadd.s32 $0xFFFFC000  }
0x7e: {  	[spmem:s3] =	stream.indirect.scatter.add.f32 [tilespmem:s23], [sflag:$0x5], $0x80, s17, s16, $0xb8;
	[tilespmem:$0x1FF00] =	vst v63  }
0x7f: {  	s5 =	smov.u32 s30;
	_ =	swait.ge [sflag:s29], $0x4000  }
0x80: {  	p1 =	seq.s32 s5, $0x0;
	[sflag:s29] =	ssyncset.done $0x0  }
0x81: {  	s0 =	simm.s32 @!p1 $0x4;
	[sflag:s29] =	ssyncadd.s32 $0xFFFFC000  }
0x82: {  	[spmem:s3] =	stream.indirect.scatter.add.f32 [tilespmem:s25], [sflag:$0x6], $0x80, s19, s16, $0xb8;
	[tilespmem:$0x1FF00] =	vst v63  }
0x83: {  	_ =	swait.ge @!p1 [sflag:s0], $0x4000  }
0x84: {  	[sflag:s0] =	ssyncset.done @!p1 $0x0  }
0x85: {  	s30 =	sadd.s32 s5, s12;
	[sflag:s0] =	ssyncadd.s32 @!p1 $0xFFFFC000  }
0x86: {  	[tilespmem:s4], [sflag:$0x7] =	stream.linear.gather [hbm4b:s30+s4], $0x80, $0x38;
	[tilespmem:$0x1FF00] =	vst v63  }
0x87: {  	s31 =	sadd.s32 s5, s11;
	s7 =	simm.s32 @!p1 $0x5  }
0x88: {  	[tilespmem:s15], [sflag:$0x7] =	stream.linear.gather [hbm4b:s31+s4], $0x80, $0x38;
	[tilespmem:$0x1FF00] =	vst v63  }
0x89: {  	_ =	swait.ge @!p1 [sflag:s7], $0x4000  }
0x8a: {  	[sflag:s7] =	ssyncset.done @!p1 $0x0  }
0x8b: {  	[sflag:s7] =	ssyncadd.s32 @!p1 $0xFFFFC000;
	s7 =	sadd.s32 s5, s10  }
0x8c: {  	[tilespmem:s16], [sflag:$0x8] =	stream.linear.gather [hbm4b:s7+s4], $0x80, $0x38;
	[tilespmem:$0x1FF00] =	vst v63  }
0x8d: {  	s8 =	sadd.s32 s5, s9;
	s7 =	simm.s32 @!p1 $0x6  }
0x8e: {  	[tilespmem:s17], [sflag:$0x8] =	stream.linear.gather [hbm4b:s8+s4], $0x80, $0x38;
	[tilespmem:$0x1FF00] =	vst v63  }
0x8f: {  	_ =	swait.ge @!p1 [sflag:s7], $0x4000  }
0x90: {  	s30 =	rddreg [dreg:$0x5];
	[sflag:s7] =	ssyncset.done @!p1 $0x0  }
0x91: {  	s8 =	rddreg [dreg:$0x4];
	[sflag:s7] =	ssyncadd.s32 @!p1 $0xFFFFC000;
	s0 =	sadd.s32 s5, s30  }
0x92: {  	[tilespmem:s18], [sflag:$0x9] =	stream.linear.gather [hbm4b:s0+s4], $0x80, $0x38;
	[tilespmem:$0x1FF00] =	vst v63  }
0x93: {  	s31 =	sadd.s32 s5, s8  }
0x94: {  	[tilespmem:s19], [sflag:$0x9] =	stream.linear.gather [hbm4b:s31+s4], $0x80, $0x38;
	[tilespmem:$0x1FF00] =	vst v63  }
0x95: {  	_ =	swait.ge [sflag:s20], $0x80  }
0x96: {  	[sflag:s20] =	ssyncset.done $0x0  }
0x97: {  	[sflag:s20] =	ssyncadd.s32 $0xFFFFFF80  }
0x98: {  	_ =	swait.ge [sflag:s20], $0x80  }
0x99: {  	[sflag:s20] =	ssyncset.done $0x0  }
0x9a: {  	[sflag:s20] =	ssyncadd.s32 $0xFFFFFF80  }
0x9b: {  	[tilespmem:s21], [sflag:$0x1] =	stream.indirect.gather [hbm4b:s1+s16], $0x80, s4, s16, $0xb8;
	[tilespmem:$0x1FF00] =	vst v63  }
0x9c: {  	_ =	swait.ge [sflag:s22], $0x80  }
0x9d: {  	[sflag:s22] =	ssyncset.done $0x0  }
0x9e: {  	[sflag:s22] =	ssyncadd.s32 $0xFFFFFF80  }
0x9f: {  	_ =	swait.ge [sflag:s22], $0x80  }
0xa0: {  	[sflag:s22] =	ssyncset.done $0x0  }
0xa1: {  	[sflag:s22] =	ssyncadd.s32 $0xFFFFFF80  }
0xa2: {  	[tilespmem:s23], [sflag:$0x2] =	stream.indirect.gather [hbm4b:s1+s16], $0x80, s16, s16, $0xb8;
	[tilespmem:$0x1FF00] =	vst v63  }
0xa3: {  	_ =	swait.ge [sflag:s24], $0x80  }
0xa4: {  	[sflag:s24] =	ssyncset.done $0x0  }
0xa5: {  	[sflag:s24] =	ssyncadd.s32 $0xFFFFFF80  }
0xa6: {  	_ =	swait.ge [sflag:s24], $0x80  }
0xa7: {  	[sflag:s24] =	ssyncset.done $0x0  }
0xa8: {  	[sflag:s24] =	ssyncadd.s32 $0xFFFFFF80  }
0xa9: {  	[tilespmem:s25], [sflag:$0x3] =	stream.indirect.gather [hbm4b:s1+s16], $0x80, s18, s16, $0xb8;
	[tilespmem:$0x1FF00] =	vst v63  }
0xaa: {  	_ =	swait.ge [sflag:s26], $0x4000  }
0xab: {  	[sflag:s26] =	ssyncset.done $0x0  }
0xac: {  	[sflag:s26] =	ssyncadd.s32 $0xFFFFC000  }
0xad: {  	[spmem:s3] =	stream.indirect.scatter.add.f32 [tilespmem:s21], [sflag:$0x4], $0x80, s15, s16, $0xb8;
	[tilespmem:$0x1FF00] =	vst v63  }
0xae: {  	_ =	swait.ge [sflag:s28], $0x4000  }
0xaf: {  	[sflag:s28] =	ssyncset.done $0x0  }
0xb0: {  	[sflag:s28] =	ssyncadd.s32 $0xFFFFC000  }
0xb1: {  	[spmem:s3] =	stream.indirect.scatter.add.f32 [tilespmem:s23], [sflag:$0x5], $0x80, s17, s16, $0xb8;
	[tilespmem:$0x1FF00] =	vst v63  }
0xb2: {  	_ =	swait.ge [sflag:s29], $0x4000  }
0xb3: {  	[sflag:s29] =	ssyncset.done $0x0  }
0xb4: {  	s5 =	simm.s32 $0x4;
	[sflag:s29] =	ssyncadd.s32 $0xFFFFC000  }
0xb5: {  	[spmem:s3] =	stream.indirect.scatter.add.f32 [tilespmem:s25], [sflag:$0x6], $0x80, s19, s16, $0xb8;
	[tilespmem:$0x1FF00] =	vst v63  }
0xb6: {  	_ =	swait.ge [sflag:s5], $0x4000  }
0xb7: {  	[sflag:s5] =	ssyncset.done $0x0  }
0xb8: {  	s7 =	simm.s32 $0x5;
	[sflag:s5] =	ssyncadd.s32 $0xFFFFC000  }
0xb9: {  	_ =	swait.ge [sflag:s7], $0x4000  }
0xba: {  	[sflag:s7] =	ssyncset.done $0x0  }
0xbb: {  	s8 =	simm.s32 $0x6;
	[sflag:s7] =	ssyncadd.s32 $0xFFFFC000  }
0xbc: {  	_ =	swait.ge [sflag:s8], $0x4000  }
0xbd: {  	[sflag:s8] =	ssyncset.done $0x0  }
0xbe: {  	[sflag:s8] =	ssyncadd.s32 $0xFFFFC000  }
0xbf: {  	[bflag:$0x0] =	sbarrier.arrive $0xFFFF  }
0xc0: {  	s30 =	rddreg [dreg:$0x7]  }
0xc1: {  	[hbm:s30], [sflag:s6] =	dma.local [spmem:s13], $0x2780  }
0xc2: {  	_ =	swait.ge [sflag:s14], $0x2780  }
0xc3: {  	s2 =	sadd.s32 $0x1, s2;
	s31 =	rddreg [dreg:$0x8]  }
0xc4: {  	p0 =	sne.s32 s2, s31  }
.Ltmp1:
0xc5: {  	_ = 	snop;
	(pc) =	sbr.rel @p0 .LBB2_1-.Ltmp1, $3  }
0xc6: {  	_ =	sdelay $0x1  }
0xc7: {  	[sflag:s14] =	ssyncset.done $0x0  }
0xc8: {  	[sflag:s14] =	ssyncadd.s32 $0xFFFFD880  }
0xc9: {  	_ =	sfence.sel $0x180000  }
0xca: {  	[bflag:$0x0] =	sbarrier.arrive $0xFFFF  }
0xcb: {  	_ =	strace $0x9000004A  }
0xcc: {  	s0 =	stileid.u32;
	[bflag:$0x2] =	sbarrier.arrive $0xFFFF  }
0xcd: {  	p0 =	sne.s32 s0, $0x0;
	s0 =	rddreg [dreg:$0x3]  }
0xce: {  	s0 =	sadd.s32 @!p0 $0x100000, s0  }
0xcf: {  	[sflag:s0] =	ssyncadd.tile.s32 @!p0 $0x1;
	_ =	shalt  }
.Lfunc_end2:
_tile_overlayer_lowered:
.L_overlay_start_2:
0xd0: {  	(tag) =	ssettag $0x2  }
0xd1: {  	s0 =	rddreg [dreg:$0x0];
	s2 =	stileid.u32  }
0xd2: {  	s1 =	rddreg [dreg:$0x1];
	p0 =	sne.s32 s2, $0x0  }
0xd3: {  	s3 =	rddreg [dreg:$0x2];
	[bflag:$0x3] =	sbarrier.arrive $0xFFFF;
	s2 =	simm.s32 @!p0 $0x1C0A  }
0xd4: {  	[timem:s3], [sflag:s2] =	dma.local @!p0 [hbm:s0], s1  }
0xd5: {  	s0 =	simm.s32 @!p0 $0xA  }
0xd6: {  	_ =	swait.ge @!p0 [sflag:s0], s1  }
0xd7: {  	s1 =	ssub.s32 @!p0 $0x0, s1;
	[sflag:s0] =	ssyncset.done @!p0 $0x0  }
0xd8: {  	[sflag:s0] =	ssyncadd.s32 @!p0 s1  }
0xd9: {  	[bflag:$0x3] =	sbarrier.arrive $0xFFFF  }
0xda: {  	_ =	shalt  }

// kernel: kernel.7.cloned.1.call-start
scs
__scs_entry_jumppad:
0x0: {  	(pc) =	sbr.rel $0x88, $3  }
0x1: {  	(tag) =	ssettag $0x0;
	lr =	simm.s32 $0x1  }
0x2: {  	[smem:$0x3F9B] =	sst lr;
	_ =	strace $0xD0000000  }
0x3: {  	_ = 	snop  }
0x4: {  	_ = 	snop  }
0x5: {  	_ = 	snop  }
0x6: {  	_ = 	snop  }
0x7: {  	_ = 	snop  }
__scs_overlays_trampoline_lowered:
0x8: {  	[smem:$0x3FAA] =	sst s0  }
0x9: {  	[smem:$0x3FAB] =	sst s1  }
0xa: {  	[smem:$0x3FAC] =	sst s2  }
0xb: {  	[smem:$0x3FAD] =	sst s3  }
0xc: {  	[smem:$0x3FAE] =	sst s4  }
0xd: {  	[smem:$0x3FAF] =	sst s5  }
0xe: {  	[smem:$0x3FB0] =	sst s6  }
0xf: {  	[smem:$0x3FB1] =	sst s7  }
0x10: {  	[smem:$0x3FB2] =	sst s8  }
0x11: {  	[smem:$0x3FB3] =	sst s9;
	s0 =	simm.s32 @!p0 $0x0  }
0x12: {  	s1 =	sld [smem:$0x3F99];
	s0 =	simm.s32 @p0 $0x1  }
0x13: {  	[smem:$0x3FB4] =	sst s0;
	s0 =	simm.s32 @!p1 $0x0  }
0x14: {  	s2 =	sld [smem:$0x3F98];
	s0 =	simm.s32 @p1 $0x1  }
0x15: {  	[smem:$0x3FB5] =	sst s0;
	s0 =	simm.s32 @!p2 $0x0  }
0x16: {  	s3 =	sld [smem:$0x3FDB];
	s0 =	simm.s32 @p2 $0x1  }
0x17: {  	s4 =	simm.s32 $0x1BF5;
	[smem:$0x3FB7] =	sst s0  }
0x18: {  	s0 =	sld [smem:$0x3F9A];
	_ =	swait.ge [sflag:s4], $0x0  }
0x19: {  	s7 =	sld [smem:$0x3F9B]  }
0x1a: {  	s8 =	sadd.s32 $0xFFFFE003, lr  }
0x1b: {  	s9 =	sadd.s32 $0xFFFFFEF7, lr;
	s5 =	simm.s32 $0xFFFFFFFF;
	p2 =	slt.u32 s8, $0xFFFFF086  }
0x1c: {  	p1 =	slt.u32 s9, $0xF7A;
	s5 =	simm.s32 @!p2 $0x0  }
0x1d: {  	s5 =	simm.s32 @p1 $0x1;
	p0 =	seq.s32 s7, s2  }
0x1e: {  	s7 =	smul.u32 @!p0 $0xF7A, s2;
	p2 =	seq.s32 @!p0 s5, $0x0  }
0x1f: {  	s9 =	smul.u32 $0xF7A, s1;
	s8 =	simm.s32 @!p0 $0x1BF5;
	p2 =	por !p2, p0  }
0x20: {  	[sflag:s8] =	ssyncset.s32 @!p0 $0xFFFFF086;
	s6 =	sadd.s32 @!p0 s3, s7;
	s7 =	simm.s32 @!p0 $0x108  }
0x21: {  	s3 =	sadd.s32 s3, s9;
	s6 =	sadd.s32 @!p0 $0x88, s6;
	s7 =	simm.s32 @p2 $0x1082  }
0x22: {  	[simem:s7], [sflag:s8] =	dma.local @!p0 [hbm:s6], $0xF7A  }
0x23: {  	s9 =	sor.u32 $0xD0000000, s2;
	s6 =	simm.s32 $0x108;
	_ =	swait.ge @!p0 [sflag:s8], $0x0  }
0x24: {  	s3 =	sadd.s32 $0x88, s3;
	s6 =	simm.s32 @!p1 $0x1082;
	[sflag:s4] =	ssyncset.s32 $0xFFFFF086  }
0x25: {  	[simem:s6], [sflag:s4] =	dma.local [hbm:s3], $0xF7A  }
0x26: {  	[smem:$0x3F9B] =	sst s1;
	(tag) =	ssettag s2;
	_ =	strace s9  }
0x27: {  	s1 =	sld [smem:$0x3FAB]  }
0x28: {  	s2 =	sld [smem:$0x3FAC]  }
0x29: {  	s4 =	sld [smem:$0x3FAE]  }
0x2a: {  	p0 =	seq.s32 s5, $0x0;
	s5 =	sld [smem:$0x3FAF]  }
0x2b: {  	s6 =	sld [smem:$0x3FB0]  }
0x2c: {  	s7 =	sld [smem:$0x3FB1]  }
0x2d: {  	s3 =	simm.s32 $0x108;
	s8 =	sld [smem:$0x3FB2]  }
0x2e: {  	s3 =	simm.s32 @!p0 $0x1082;
	s9 =	sld [smem:$0x3FB3]  }
0x2f: {  	lr =	sadd.s32 s0, s3;
	s0 =	sld [smem:$0x3FAA]  }
0x30: {  	s3 =	sld [smem:$0x3FAD]  }
0x31: {  	[smem:$0x3FB6] =	sst s10  }
0x32: {  	s10 =	sld [smem:$0x3FB4];
	_ =	sdelay $0x3  }
0x33: {  	p0 =	seq.s32 s10, $0x1;
	s10 =	sld [smem:$0x3FB6];
	_ =	sdelay $0x3  }
0x34: {  	[smem:$0x3FB6] =	sst s10  }
0x35: {  	s10 =	sld [smem:$0x3FB5];
	_ =	sdelay $0x3  }
0x36: {  	p1 =	seq.s32 s10, $0x1;
	s10 =	sld [smem:$0x3FB6];
	_ =	sdelay $0x3  }
0x37: {  	[smem:$0x3FB6] =	sst s10  }
0x38: {  	s10 =	sld [smem:$0x3FB7]  }
0x39: {  	_ = 	snop;
	(pc) =	sbr.ind lr, $3  }
0x3a: {  	_ = 	snop  }
0x3b: {  	_ = 	snop  }
0x3c: {  	p2 =	seq.s32 s10, $0x1;
	s10 =	sld [smem:$0x3FB6]  }
0x3d: {  	_ =	shalt  }
0x3e: {  	_ =	shalt  }
0x3f: {  	_ =	shalt  }
0x40: {  	_ =	shalt  }
0x41: {  	_ =	shalt  }
0x42: {  	_ =	shalt  }
0x43: {  	_ =	shalt  }
0x44: {  	_ =	shalt  }
0x45: {  	_ =	shalt  }
0x46: {  	_ =	shalt  }
0x47: {  	_ =	shalt  }
0x48: {  	_ =	shalt  }
0x49: {  	_ =	shalt  }
0x4a: {  	_ =	shalt  }
0x4b: {  	_ =	shalt  }
0x4c: {  	_ =	shalt  }
0x4d: {  	_ =	shalt  }
0x4e: {  	_ =	shalt  }
0x4f: {  	_ =	shalt  }
0x50: {  	_ =	shalt  }
0x51: {  	_ =	shalt  }
0x52: {  	_ =	shalt  }
0x53: {  	_ =	shalt  }
0x54: {  	_ =	shalt  }
0x55: {  	_ =	shalt  }
0x56: {  	_ =	shalt  }
0x57: {  	_ =	shalt  }
0x58: {  	_ =	shalt  }
0x59: {  	_ =	shalt  }
0x5a: {  	_ =	shalt  }
0x5b: {  	_ =	shalt  }
0x5c: {  	_ =	shalt  }
0x5d: {  	_ =	shalt  }
0x5e: {  	_ =	shalt  }
0x5f: {  	_ =	shalt  }
0x60: {  	_ =	shalt  }
0x61: {  	_ =	shalt  }
0x62: {  	_ =	shalt  }
0x63: {  	_ =	shalt  }
0x64: {  	_ =	shalt  }
0x65: {  	_ =	shalt  }
0x66: {  	_ =	shalt  }
0x67: {  	_ =	shalt  }
0x68: {  	_ =	shalt  }
0x69: {  	_ =	shalt  }
0x6a: {  	_ =	shalt  }
0x6b: {  	_ =	shalt  }
0x6c: {  	_ =	shalt  }
0x6d: {  	_ =	shalt  }
0x6e: {  	_ =	shalt  }
0x6f: {  	_ =	shalt  }
0x70: {  	_ =	shalt  }
0x71: {  	_ =	shalt  }
0x72: {  	_ =	shalt  }
0x73: {  	_ =	shalt  }
0x74: {  	_ =	shalt  }
0x75: {  	_ =	shalt  }
0x76: {  	_ =	shalt  }
0x77: {  	_ =	shalt  }
0x78: {  	_ =	shalt  }
0x79: {  	_ =	shalt  }
0x7a: {  	_ =	shalt  }
0x7b: {  	_ =	shalt  }
0x7c: {  	_ =	shalt  }
0x7d: {  	_ =	shalt  }
0x7e: {  	_ =	shalt  }
0x7f: {  	_ =	shalt  }
0x80: {  	_ =	shalt  }
0x81: {  	_ =	shalt  }
0x82: {  	_ =	shalt  }
0x83: {  	_ =	shalt  }
0x84: {  	_ =	shalt  }
0x85: {  	_ =	shalt  }
0x86: {  	_ =	shalt  }
0x87: {  	_ =	shalt  }
.Lfunc_end0:
.L_simem_size_0:
called_computation_lowered:
.L_overlay_start_0:
0x88: {  	s2 =	sld [smem:$0x3FD9]  }
0x89: {  	s3 =	sld [smem:$0x3FFE];
	_ =	sdelay $0x1  }
0x8a: {  	s1 =	srdreg.scid  }
0x8b: {  	s0 =	sand.u32 $0x1, s1  }
0x8c: {  	s17 =	sshll.u32 s0, $0xA;
	s2 =	sadd.s32 s3, s2  }
0x8d: {  	s2 =	sadd.s32 s2, s17  }
0x8e: {  	[smem:$0x3FC2] =	sst s2  }
0x8f: {  	_ = 	snop  }
0x90: {  	s2 =	sld [smem:$0x3FD0];
	(tm) =	ssettm $0x1  }
0x91: {  	s18 =	sld [smem:$0x3FFB];
	_ =	sdelay $0x3  }
0x92: {  	_ =	strace s18  }
0x93: {  	s3 =	sld [smem:$0x3FFC];
	_ =	sdelay $0x3  }
0x94: {  	_ =	strace s3  }
0x95: {  	s3 =	sld [smem:$0x3FFD];
	_ =	sdelay $0x3  }
0x96: {  	_ =	strace s3  }
0x97: {  	_ =	strace $0x8FFFFFFF  }
0x98: {  	s19 =	sld [smem:$0x3FDB];
	_ =	sdelay $0x1  }
0x99: {  	s4 =	simm.s32 $_scs_section_size  }
0x9a: {  	s5 =	simm.s32 $_size__tile_overlayer_lowered;
	s6 =	simm.s32 $_tile_overlayer_lowered  }
0x9b: {  	s22 =	simm.s32 $0x1BFF;
	s21 =	sshll.u32 s6, $0x1;
	s3 =	sadd.s32 s4, s19  }
0x9c: {  	s7 =	simm.s32 $0x0;
	s20 =	sshll.u32 s5, $0x1;
	s5 =	sadd.s32 s21, s3  }
0x9d: {  	[timem:s7], [sflag:s22] =	dma.local [hbm:s5], s20  }
0x9e: {  	_ =	swait.ge [sflag:s22], s20  }
0x9f: {  	s4 =	ssub.s32 $0x0, s20;
	[sflag:s22] =	ssyncset.done $0x0  }
0xa0: {  	[sflag:s22] =	ssyncadd.s32 s4;
	_ =	sdelay $0x1  }
0xa1: {  	s23 =	simm.s32 $0x1B8B  }
0xa2: {  	_ =	swait.ge [sflag:s23], $0x1  }
0xa3: {  	[sflag:s23] =	ssyncset.done $0x0  }
0xa4: {  	s25 =	simm.s32 $0x1B8E;
	s24 =	sld [smem:$0x3FFE];
	[sflag:s23] =	ssyncadd.s32 $0xFFFFFFFF  }
0xa5: {  	s26 =	simm.s32 $execute0_lowered;
	[smem:$0x3FD2] =	sst s25  }
0xa6: {  	s5 =	sshll.u32 s26, $0x1;
	_ =	strace $0x80000046;
	[dreg:$0x1] =	wrdreg $0xFFFFFFFF  }
0xa7: {  	s28 =	simm.s32 $_size_execute0_lowered;
	s3 =	sadd.s32 s3, s5;
	[dreg:$0x0] =	wrdreg $0x0  }
0xa8: {  	s5 =	sshll.u32 s28, $0x1;
	[dreg:$0x2] =	wrdreg s3  }
0xa9: {  	[dreg:$0x3] =	wrdreg s5  }
0xaa: {  	[dreg:$0x4] =	wrdreg $0xC0  }
0xab: {  	_ =	task [dreg:s7], $0x5FFFF  }
0xac: {  	[dreg:$0x1] =	wrdreg $0xFFFFFFFF  }
0xad: {  	[dreg:$0x0] =	wrdreg $0x60  }
0xae: {  	[dreg:$0x2] =	wrdreg s2  }
0xaf: {  	[dreg:$0x3] =	wrdreg s24  }
0xb0: {  	[dreg:$0x4] =	wrdreg $0xC3000  }
0xb1: {  	[dreg:$0x5] =	wrdreg $0x9  }
0xb2: {  	_ =	task.clear_ibuf [dreg:s7], $0x6FFFF;
	_ =	strace $0x90000046  }
0xb3: {  	s29 =	simm.s32 $0x9;
	_ =	strace $0x80000048  }
0xb4: {  	_ =	swait.ge [sflag:s29], $0x1  }
0xb5: {  	[sflag:s29] =	ssyncadd.s32 $0xFFFFFFFF  }
0xb6: {  	_ =	strace $0x90000048  }
0xb7: {  	_ =	sfence  }
0xb8: {  	s30 =	sld [smem:$0x0];
	_ =	sdelay $0x2  }
0xb9: {  	s31 =	sshll.u32 s1, $0xD;
	s1 =	sshrl.u32 s1, $0x2  }
0xba: {  	s3 =	sand.u32 $0x4000, s31;
	s1 =	sadd.s32 s1, s30  }
0xbb: {  	s0 =	sor.u32 s3, s0;
	s1 =	sshll.u32 s1, $0x11  }
0xbc: {  	s0 =	sor.u32 s1, s0  }
0xbd: {  	s0 =	sadd.s32 $0x8F2B, s0  }
0xbe: {  	[sflag:s0] =	ssyncadd.remote.s32 $0x1  }
0xbf: {  	_ =	sfence.sel $0xFFFF  }
0xc0: {  	[dreg:$0x0] =	wrdreg $0xFFFFFFFF;
	(pc) =	sbr.abs _section_cstart, $3  }
0xc1: {  	[dreg:$0x1] =	wrdreg $0xFFFFFFFF  }
0xc2: {  	_ =	task.clear_ibuf [dreg:s7], $0x2FFFF;
	_ =	strace $0x9FFFFFFF  }
0xc3: {  	(tm) =	ssettm $0x7FFFFFFF  }
tec
execute0_lowered:
.L_overlay_start_1:
0x0: {  	(tag) =	ssettag $0x1  }
0x1: {  	s1 =	rddreg [dreg:$0x0]  }
0x2: {  	s0 =	rddreg [dreg:$0x1]  }
0x3: {  	s3 =	rddreg [dreg:$0x2];
	s4 =	simm.s32 $0x0;
	s2 =	srdreg.scid  }
0x4: {  	s12 =	stileid.u32;
	s14 =	simm.s32 $0xA;
	s15 =	simm.s32 $0x180  }
0x5: {  	s16 =	simm.s32 $0x80;
	s17 =	simm.s32 $0x200;
	s28 =	simm.s32 $0x2  }
0x6: {  	s29 =	simm.s32 $0x3;
	[smem:$0x7FF] =	sst s4;
	s5 =	smul.u32 $0x2780, s12  }
0x7: {  	s2 =	sand.u32 $0x1, s2;
	s7 =	sadd.s32 $0x1E00, s0;
	s18 =	smul.u32 $0x2880, s12  }
0x8: {  	s11 =	sadd.s32 $0xC000, s0;
	s9 =	sadd.s32 $0x16200, s0;
	s10 =	smul.u32 $0x4F000, s12  }
0x9: {  	s22 =	sshll.u32 s12, $0x6;
	_ =	strace $0x80000047;
	s6 =	smul.u32 $0x27800, s2  }
0xa: {  	s8 =	smul.u32 $0x28800, s2;
	[dreg:$0x6] =	wrdreg s9;
	s2 =	ssub.s32 $0x2, s2  }
0xb: {  	s19 =	sshrl.u32 s2, $0x1;
	s21 =	sshrl.u32 s10, $0x2;
	s5 =	sadd.s32 s5, s6  }
0xc: {  	s2 =	ssub.s32 s2, s19;
	s20 =	sadd.s32 s18, s8;
	s13 =	sadd.s32 s21, s3  }
0xd: {  	s6 =	sor.u32 $0x1C0A, s22;
	s18 =	simm.s32 $0x100;
	s19 =	simm.s32 $0x280  }
0xe: {  	s21 =	simm.s32 $0x300;
	s22 =	simm.s32 $0x8;
	s0 =	sadd.s32 s5, s0  }
0xf: {  	s9 =	sadd.s32 $0x100, s20;
	s23 =	smax.u32 s2, $0x1;
	s26 =	sadd.s32 $0x80, s20  }
0x10: {  	s31 =	sshrl.u32 s20, $0x3;
	s13 =	sshrl.u32 s13, $0x3;
	s20 =	simm.s32 $0x7  }
0x11: {  	s2 =	simm.s32 $0x0;
	s9 =	sshrl.u32 s9, $0x3;
	s0 =	sadd.s32 $0x18A00, s0  }
0x12: {  	[dreg:$0x8] =	wrdreg s23;
	s30 =	sshrl.u32 s26, $0x3;
	s12 =	sadd.s32 s31, s7  }
0x13: {  	s23 =	simm.s32 $0x4300;
	s26 =	simm.s32 $0x1;
	[dreg:$0x7] =	wrdreg s0  }
0x14: {  	s24 =	sadd.s32 s9, s11;
	s25 =	sadd.s32 s9, s7;
	s9 =	sadd.s32 s30, s11  }
0x15: {  	s10 =	sadd.s32 s30, s7;
	s11 =	sadd.s32 s31, s11;
	[dreg:$0x4] =	wrdreg s24  }
0x16: {  	[dreg:$0x5] =	wrdreg s25;
	s24 =	simm.s32 $0x9;
	s25 =	simm.s32 $0x8300  }
.LBB2_1:
0x17: {  	s0 =	rddreg [dreg:$0x6]  }
0x18: {  	[spmem:s13], [sflag:s6] =	dma.local [hbm:s0], $0x2780  }
0x19: {  	_ =	swait.ge [sflag:s14], $0x2780  }
0x1a: {  	[sflag:s14] =	ssyncset.done $0x0  }
0x1b: {  	p0 =	por $0x1, $0x1;
	[sflag:s14] =	ssyncadd.s32 $0xFFFFD880  }
0x1c: {  	s5 =	simm.s32 @!p0 $0x4;
	[bflag:$0x0] =	sbarrier.arrive $0xFFFF  }
0x1d: {  	_ =	swait.ge @!p0 [sflag:s5], $0x4000  }
0x1e: {  	[sflag:s5] =	ssyncset.done @!p0 $0x0  }
0x1f: {  	s31 =	sadd.s32 $0x0, s12;
	[sflag:s5] =	ssyncadd.s32 @!p0 $0xFFFFC000  }
0x20: {  	[tilespmem:s4], [sflag:$0x7] =	stream.linear.gather [hbm4b:s31+s4], $0x80, $0x38;
	[tilespmem:$0x1FF00] =	vst v63  }
0x21: {  	s0 =	sadd.s32 $0x0, s11;
	s7 =	simm.s32 @!p0 $0x5  }
0x22: {  	[tilespmem:s15], [sflag:$0x7] =	stream.linear.gather [hbm4b:s0+s4], $0x80, $0x38;
	[tilespmem:$0x1FF00] =	vst v63  }
0x23: {  	_ =	swait.ge @!p0 [sflag:s7], $0x4000  }
0x24: {  	[sflag:s7] =	ssyncset.done @!p0 $0x0  }
0x25: {  	[sflag:s7] =	ssyncadd.s32 @!p0 $0xFFFFC000;
	s7 =	sadd.s32 $0x0, s10  }
0x26: {  	[tilespmem:s16], [sflag:$0x8] =	stream.linear.gather [hbm4b:s7+s4], $0x80, $0x38;
	[tilespmem:$0x1FF00] =	vst v63  }
0x27: {  	s8 =	sadd.s32 $0x0, s9;
	s7 =	simm.s32 @!p0 $0x6  }
0x28: {  	[tilespmem:s17], [sflag:$0x8] =	stream.linear.gather [hbm4b:s8+s4], $0x80, $0x38;
	[tilespmem:$0x1FF00] =	vst v63  }
0x29: {  	_ =	swait.ge @!p0 [sflag:s7], $0x4000  }
0x2a: {  	s30 =	rddreg [dreg:$0x5];
	[sflag:s7] =	ssyncset.done @!p0 $0x0  }
0x2b: {  	s8 =	rddreg [dreg:$0x4];
	[sflag:s7] =	ssyncadd.s32 @!p0 $0xFFFFC000;
	s5 =	sadd.s32 $0x0, s30  }
0x2c: {  	[tilespmem:s18], [sflag:$0x9] =	stream.linear.gather [hbm4b:s5+s4], $0x80, $0x38;
	[tilespmem:$0x1FF00] =	vst v63  }
0x2d: {  	s31 =	sadd.s32 $0x0, s8  }
0x2e: {  	[tilespmem:s19], [sflag:$0x9] =	stream.linear.gather [hbm4b:s31+s4], $0x80, $0x38;
	[tilespmem:$0x1FF00] =	vst v63  }
0x2f: {  	_ =	swait.ge [sflag:s20], $0x80  }
0x30: {  	[sflag:s20] =	ssyncset.done $0x0  }
0x31: {  	[sflag:s20] =	ssyncadd.s32 $0xFFFFFF80  }
0x32: {  	_ =	swait.ge [sflag:s20], $0x80  }
0x33: {  	[sflag:s20] =	ssyncset.done $0x0  }
0x34: {  	[sflag:s20] =	ssyncadd.s32 $0xFFFFFF80  }
0x35: {  	[tilespmem:s21], [sflag:$0x1] =	stream.indirect.gather [hbm4b:s1+s16], $0x80, s4, s16, $0xb8;
	[tilespmem:$0x1FF00] =	vst v63  }
0x36: {  	_ =	swait.ge [sflag:s22], $0x80  }
0x37: {  	[sflag:s22] =	ssyncset.done $0x0  }
0x38: {  	[sflag:s22] =	ssyncadd.s32 $0xFFFFFF80  }
0x39: {  	_ =	swait.ge [sflag:s22], $0x80  }
0x3a: {  	[sflag:s22] =	ssyncset.done $0x0  }
0x3b: {  	[sflag:s22] =	ssyncadd.s32 $0xFFFFFF80  }
0x3c: {  	[tilespmem:s23], [sflag:$0x2] =	stream.indirect.gather [hbm4b:s1+s16], $0x80, s16, s16, $0xb8;
	[tilespmem:$0x1FF00] =	vst v63  }
0x3d: {  	_ =	swait.ge [sflag:s24], $0x80  }
0x3e: {  	[sflag:s24] =	ssyncset.done $0x0  }
0x3f: {  	[sflag:s24] =	ssyncadd.s32 $0xFFFFFF80  }
0x40: {  	_ =	swait.ge [sflag:s24], $0x80  }
0x41: {  	[sflag:s24] =	ssyncset.done $0x0  }
0x42: {  	[sflag:s24] =	ssyncadd.s32 $0xFFFFFF80  }
0x43: {  	[tilespmem:s25], [sflag:$0x3] =	stream.indirect.gather [hbm4b:s1+s16], $0x80, s18, s16, $0xb8;
	[tilespmem:$0x1FF00] =	vst v63  }
0x44: {  	_ =	swait.ge [sflag:s26], $0x4000  }
0x45: {  	[sflag:s26] =	ssyncset.done $0x0  }
0x46: {  	[sflag:s26] =	ssyncadd.s32 $0xFFFFC000  }
0x47: {  	[spmem:s3] =	stream.indirect.scatter.add.f32 [tilespmem:s21], [sflag:$0x4], $0x80, s15, s16, $0xb8;
	[tilespmem:$0x1FF00] =	vst v63  }
0x48: {  	_ =	swait.ge [sflag:s28], $0x4000  }
0x49: {  	[sflag:s28] =	ssyncset.done $0x0  }
0x4a: {  	[sflag:s28] =	ssyncadd.s32 $0xFFFFC000  }
0x4b: {  	[spmem:s3] =	stream.indirect.scatter.add.f32 [tilespmem:s23], [sflag:$0x5], $0x80, s17, s16, $0xb8;
	[tilespmem:$0x1FF00] =	vst v63  }
0x4c: {  	p1 =	por $0x0, $0x0;
	_ =	swait.ge [sflag:s29], $0x4000  }
0x4d: {  	s7 =	simm.s32 $0x60;
	s5 =	simm.s32 $0x30;
	[sflag:s29] =	ssyncset.done $0x0  }
.LBB2_2:
0x4e: {  	s8 =	simm.s32 @!p1 $0x4;
	[sflag:s29] =	ssyncadd.s32 $0xFFFFC000  }
0x4f: {  	[spmem:s3] =	stream.indirect.scatter.add.f32 [tilespmem:s25], [sflag:$0x6], $0x80, s19, s16, $0xb8;
	[tilespmem:$0x1FF00] =	vst v63  }
0x50: {  	_ =	swait.ge @!p1 [sflag:s8], $0x4000  }
0x51: {  	[sflag:s8] =	ssyncset.done @!p1 $0x0  }
0x52: {  	s31 =	sadd.s32 s5, s12;
	[sflag:s8] =	ssyncadd.s32 @!p1 $0xFFFFC000  }
0x53: {  	[tilespmem:s4], [sflag:$0x7] =	stream.linear.gather [hbm4b:s31+s4], $0x80, $0x38;
	[tilespmem:$0x1FF00] =	vst v63  }
0x54: {  	s0 =	sadd.s32 s5, s11;
	s31 =	simm.s32 @!p1 $0x5  }
0x55: {  	[tilespmem:s15], [sflag:$0x7] =	stream.linear.gather [hbm4b:s0+s4], $0x80, $0x38;
	[tilespmem:$0x1FF00] =	vst v63  }
0x56: {  	_ =	swait.ge @!p1 [sflag:s31], $0x4000  }
0x57: {  	[sflag:s31] =	ssyncset.done @!p1 $0x0  }
0x58: {  	[sflag:s31] =	ssyncadd.s32 @!p1 $0xFFFFC000;
	s31 =	sadd.s32 s5, s10  }
0x59: {  	[tilespmem:s16], [sflag:$0x8] =	stream.linear.gather [hbm4b:s31+s4], $0x80, $0x38;
	[tilespmem:$0x1FF00] =	vst v63  }
0x5a: {  	s0 =	sadd.s32 s5, s9;
	s31 =	simm.s32 @!p1 $0x6  }
0x5b: {  	[tilespmem:s17], [sflag:$0x8] =	stream.linear.gather [hbm4b:s0+s4], $0x80, $0x38;
	[tilespmem:$0x1FF00] =	vst v63  }
0x5c: {  	_ =	swait.ge @!p1 [sflag:s31], $0x4000  }
0x5d: {  	s8 =	rddreg [dreg:$0x5];
	[sflag:s31] =	ssyncset.done @!p1 $0x0  }
0x5e: {  	s0 =	rddreg [dreg:$0x4];
	[sflag:s31] =	ssyncadd.s32 @!p1 $0xFFFFC000;
	s8 =	sadd.s32 s5, s8  }
0x5f: {  	[tilespmem:s18], [sflag:$0x9] =	stream.linear.gather [hbm4b:s8+s4], $0x80, $0x38;
	[tilespmem:$0x1FF00] =	vst v63  }
0x60: {  	s0 =	sadd.s32 s5, s0  }
0x61: {  	[tilespmem:s19], [sflag:$0x9] =	stream.linear.gather [hbm4b:s0+s4], $0x80, $0x38;
	[tilespmem:$0x1FF00] =	vst v63  }
0x62: {  	_ =	swait.ge [sflag:s20], $0x80  }
0x63: {  	[sflag:s20] =	ssyncset.done $0x0  }
0x64: {  	[sflag:s20] =	ssyncadd.s32 $0xFFFFFF80  }
0x65: {  	_ =	swait.ge [sflag:s20], $0x80  }
0x66: {  	[sflag:s20] =	ssyncset.done $0x0  }
0x67: {  	[sflag:s20] =	ssyncadd.s32 $0xFFFFFF80  }
0x68: {  	[tilespmem:s21], [sflag:$0x1] =	stream.indirect.gather [hbm4b:s1+s16], $0x80, s4, s16, $0xb8;
	[tilespmem:$0x1FF00] =	vst v63  }
0x69: {  	_ =	swait.ge [sflag:s22], $0x80  }
0x6a: {  	[sflag:s22] =	ssyncset.done $0x0  }
0x6b: {  	[sflag:s22] =	ssyncadd.s32 $0xFFFFFF80  }
0x6c: {  	_ =	swait.ge [sflag:s22], $0x80  }
0x6d: {  	[sflag:s22] =	ssyncset.done $0x0  }
0x6e: {  	[sflag:s22] =	ssyncadd.s32 $0xFFFFFF80  }
0x6f: {  	[tilespmem:s23], [sflag:$0x2] =	stream.indirect.gather [hbm4b:s1+s16], $0x80, s16, s16, $0xb8;
	[tilespmem:$0x1FF00] =	vst v63  }
0x70: {  	_ =	swait.ge [sflag:s24], $0x80  }
0x71: {  	[sflag:s24] =	ssyncset.done $0x0  }
0x72: {  	[sflag:s24] =	ssyncadd.s32 $0xFFFFFF80  }
0x73: {  	_ =	swait.ge [sflag:s24], $0x80  }
0x74: {  	[sflag:s24] =	ssyncset.done $0x0  }
0x75: {  	[sflag:s24] =	ssyncadd.s32 $0xFFFFFF80  }
0x76: {  	[tilespmem:s25], [sflag:$0x3] =	stream.indirect.gather [hbm4b:s1+s16], $0x80, s18, s16, $0xb8;
	[tilespmem:$0x1FF00] =	vst v63  }
0x77: {  	_ =	swait.ge [sflag:s26], $0x4000  }
0x78: {  	[sflag:s26] =	ssyncset.done $0x0  }
0x79: {  	s30 =	smov.u32 s7;
	s7 =	sadd.s32 $0x30, s7;
	[sflag:s26] =	ssyncadd.s32 $0xFFFFC000  }
0x7a: {  	[spmem:s3] =	stream.indirect.scatter.add.f32 [tilespmem:s21], [sflag:$0x4], $0x80, s15, s16, $0xb8;
	[tilespmem:$0x1FF00] =	vst v63  }
0x7b: {  	p0 =	sne.s32 s7, $0x510;
	_ =	swait.ge [sflag:s28], $0x4000  }
.Ltmp0:
0x7c: {  	[sflag:s28] =	ssyncset.done $0x0;
	(pc) =	sbr.rel @p0 .LBB2_2-.Ltmp0, $4  }
0x7d: {  	[sflag:s28] =	ssyncadd.s32 $0xFFFFC000  }
0x7e: {  	[spmem:s3] =	stream.indirect.scatter.add.f32 [tilespmem:s23], [sflag:$0x5], $0x80, s17, s16, $0xb8;
	[tilespmem:$0x1FF00] =	vst v63  }
0x7f: {  	s5 =	smov.u32 s30;
	_ =	swait.ge [sflag:s29], $0x4000  }
0x80: {  	p1 =	seq.s32 s5, $0x0;
	[sflag:s29] =	ssyncset.done $0x0  }
0x81: {  	s0 =	simm.s32 @!p1 $0x4;
	[sflag:s29] =	ssyncadd.s32 $0xFFFFC000  }
0x82: {  	[spmem:s3] =	stream.indirect.scatter.add.f32 [tilespmem:s25], [sflag:$0x6], $0x80, s19, s16, $0xb8;
	[tilespmem:$0x1FF00] =	vst v63  }
0x83: {  	_ =	swait.ge @!p1 [sflag:s0], $0x4000  }
0x84: {  	[sflag:s0] =	ssyncset.done @!p1 $0x0  }
0x85: {  	s30 =	sadd.s32 s5, s12;
	[sflag:s0] =	ssyncadd.s32 @!p1 $0xFFFFC000  }
0x86: {  	[tilespmem:s4], [sflag:$0x7] =	stream.linear.gather [hbm4b:s30+s4], $0x80, $0x38;
	[tilespmem:$0x1FF00] =	vst v63  }
0x87: {  	s31 =	sadd.s32 s5, s11;
	s7 =	simm.s32 @!p1 $0x5  }
0x88: {  	[tilespmem:s15], [sflag:$0x7] =	stream.linear.gather [hbm4b:s31+s4], $0x80, $0x38;
	[tilespmem:$0x1FF00] =	vst v63  }
0x89: {  	_ =	swait.ge @!p1 [sflag:s7], $0x4000  }
0x8a: {  	[sflag:s7] =	ssyncset.done @!p1 $0x0  }
0x8b: {  	[sflag:s7] =	ssyncadd.s32 @!p1 $0xFFFFC000;
	s7 =	sadd.s32 s5, s10  }
0x8c: {  	[tilespmem:s16], [sflag:$0x8] =	stream.linear.gather [hbm4b:s7+s4], $0x80, $0x38;
	[tilespmem:$0x1FF00] =	vst v63  }
0x8d: {  	s8 =	sadd.s32 s5, s9;
	s7 =	simm.s32 @!p1 $0x6  }
0x8e: {  	[tilespmem:s17], [sflag:$0x8] =	stream.linear.gather [hbm4b:s8+s4], $0x80, $0x38;
	[tilespmem:$0x1FF00] =	vst v63  }
0x8f: {  	_ =	swait.ge @!p1 [sflag:s7], $0x4000  }
0x90: {  	s30 =	rddreg [dreg:$0x5];
	[sflag:s7] =	ssyncset.done @!p1 $0x0  }
0x91: {  	s8 =	rddreg [dreg:$0x4];
	[sflag:s7] =	ssyncadd.s32 @!p1 $0xFFFFC000;
	s0 =	sadd.s32 s5, s30  }
0x92: {  	[tilespmem:s18], [sflag:$0x9] =	stream.linear.gather [hbm4b:s0+s4], $0x80, $0x38;
	[tilespmem:$0x1FF00] =	vst v63  }
0x93: {  	s31 =	sadd.s32 s5, s8  }
0x94: {  	[tilespmem:s19], [sflag:$0x9] =	stream.linear.gather [hbm4b:s31+s4], $0x80, $0x38;
	[tilespmem:$0x1FF00] =	vst v63  }
0x95: {  	_ =	swait.ge [sflag:s20], $0x80  }
0x96: {  	[sflag:s20] =	ssyncset.done $0x0  }
0x97: {  	[sflag:s20] =	ssyncadd.s32 $0xFFFFFF80  }
0x98: {  	_ =	swait.ge [sflag:s20], $0x80  }
0x99: {  	[sflag:s20] =	ssyncset.done $0x0  }
0x9a: {  	[sflag:s20] =	ssyncadd.s32 $0xFFFFFF80  }
0x9b: {  	[tilespmem:s21], [sflag:$0x1] =	stream.indirect.gather [hbm4b:s1+s16], $0x80, s4, s16, $0xb8;
	[tilespmem:$0x1FF00] =	vst v63  }
0x9c: {  	_ =	swait.ge [sflag:s22], $0x80  }
0x9d: {  	[sflag:s22] =	ssyncset.done $0x0  }
0x9e: {  	[sflag:s22] =	ssyncadd.s32 $0xFFFFFF80  }
0x9f: {  	_ =	swait.ge [sflag:s22], $0x80  }
0xa0: {  	[sflag:s22] =	ssyncset.done $0x0  }
0xa1: {  	[sflag:s22] =	ssyncadd.s32 $0xFFFFFF80  }
0xa2: {  	[tilespmem:s23], [sflag:$0x2] =	stream.indirect.gather [hbm4b:s1+s16], $0x80, s16, s16, $0xb8;
	[tilespmem:$0x1FF00] =	vst v63  }
0xa3: {  	_ =	swait.ge [sflag:s24], $0x80  }
0xa4: {  	[sflag:s24] =	ssyncset.done $0x0  }
0xa5: {  	[sflag:s24] =	ssyncadd.s32 $0xFFFFFF80  }
0xa6: {  	_ =	swait.ge [sflag:s24], $0x80  }
0xa7: {  	[sflag:s24] =	ssyncset.done $0x0  }
0xa8: {  	[sflag:s24] =	ssyncadd.s32 $0xFFFFFF80  }
0xa9: {  	[tilespmem:s25], [sflag:$0x3] =	stream.indirect.gather [hbm4b:s1+s16], $0x80, s18, s16, $0xb8;
	[tilespmem:$0x1FF00] =	vst v63  }
0xaa: {  	_ =	swait.ge [sflag:s26], $0x4000  }
0xab: {  	[sflag:s26] =	ssyncset.done $0x0  }
0xac: {  	[sflag:s26] =	ssyncadd.s32 $0xFFFFC000  }
0xad: {  	[spmem:s3] =	stream.indirect.scatter.add.f32 [tilespmem:s21], [sflag:$0x4], $0x80, s15, s16, $0xb8;
	[tilespmem:$0x1FF00] =	vst v63  }
0xae: {  	_ =	swait.ge [sflag:s28], $0x4000  }
0xaf: {  	[sflag:s28] =	ssyncset.done $0x0  }
0xb0: {  	[sflag:s28] =	ssyncadd.s32 $0xFFFFC000  }
0xb1: {  	[spmem:s3] =	stream.indirect.scatter.add.f32 [tilespmem:s23], [sflag:$0x5], $0x80, s17, s16, $0xb8;
	[tilespmem:$0x1FF00] =	vst v63  }
0xb2: {  	_ =	swait.ge [sflag:s29], $0x4000  }
0xb3: {  	[sflag:s29] =	ssyncset.done $0x0  }
0xb4: {  	s5 =	simm.s32 $0x4;
	[sflag:s29] =	ssyncadd.s32 $0xFFFFC000  }
0xb5: {  	[spmem:s3] =	stream.indirect.scatter.add.f32 [tilespmem:s25], [sflag:$0x6], $0x80, s19, s16, $0xb8;
	[tilespmem:$0x1FF00] =	vst v63  }
0xb6: {  	_ =	swait.ge [sflag:s5], $0x4000  }
0xb7: {  	[sflag:s5] =	ssyncset.done $0x0  }
0xb8: {  	s7 =	simm.s32 $0x5;
	[sflag:s5] =	ssyncadd.s32 $0xFFFFC000  }
0xb9: {  	_ =	swait.ge [sflag:s7], $0x4000  }
0xba: {  	[sflag:s7] =	ssyncset.done $0x0  }
0xbb: {  	s8 =	simm.s32 $0x6;
	[sflag:s7] =	ssyncadd.s32 $0xFFFFC000  }
0xbc: {  	_ =	swait.ge [sflag:s8], $0x4000  }
0xbd: {  	[sflag:s8] =	ssyncset.done $0x0  }
0xbe: {  	[sflag:s8] =	ssyncadd.s32 $0xFFFFC000  }
0xbf: {  	[bflag:$0x0] =	sbarrier.arrive $0xFFFF  }
0xc0: {  	s30 =	rddreg [dreg:$0x7]  }
0xc1: {  	[hbm:s30], [sflag:s6] =	dma.local [spmem:s13], $0x2780  }
0xc2: {  	_ =	swait.ge [sflag:s14], $0x2780  }
0xc3: {  	s2 =	sadd.s32 $0x1, s2;
	s31 =	rddreg [dreg:$0x8]  }
0xc4: {  	p0 =	sne.s32 s2, s31  }
.Ltmp1:
0xc5: {  	_ = 	snop;
	(pc) =	sbr.rel @p0 .LBB2_1-.Ltmp1, $3  }
0xc6: {  	_ =	sdelay $0x1  }
0xc7: {  	[sflag:s14] =	ssyncset.done $0x0  }
0xc8: {  	[sflag:s14] =	ssyncadd.s32 $0xFFFFD880  }
0xc9: {  	_ =	sfence.sel $0x180000  }
0xca: {  	[bflag:$0x0] =	sbarrier.arrive $0xFFFF  }
0xcb: {  	_ =	strace $0x90000047  }
0xcc: {  	s0 =	stileid.u32;
	[bflag:$0x2] =	sbarrier.arrive $0xFFFF  }
0xcd: {  	p0 =	sne.s32 s0, $0x0;
	s0 =	rddreg [dreg:$0x3]  }
0xce: {  	s0 =	sadd.s32 @!p0 $0x100000, s0  }
0xcf: {  	[sflag:s0] =	ssyncadd.tile.s32 @!p0 $0x1;
	_ =	shalt  }
.Lfunc_end2:
_tile_overlayer_lowered:
.L_overlay_start_2:
0xd0: {  	(tag) =	ssettag $0x2  }
0xd1: {  	s0 =	rddreg [dreg:$0x0];
	s2 =	stileid.u32  }
0xd2: {  	s1 =	rddreg [dreg:$0x1];
	p0 =	sne.s32 s2, $0x0  }
0xd3: {  	s3 =	rddreg [dreg:$0x2];
	[bflag:$0x3] =	sbarrier.arrive $0xFFFF;
	s2 =	simm.s32 @!p0 $0x1C0A  }
0xd4: {  	[timem:s3], [sflag:s2] =	dma.local @!p0 [hbm:s0], s1  }
0xd5: {  	s0 =	simm.s32 @!p0 $0xA  }
0xd6: {  	_ =	swait.ge @!p0 [sflag:s0], s1  }
0xd7: {  	s1 =	ssub.s32 @!p0 $0x0, s1;
	[sflag:s0] =	ssyncset.done @!p0 $0x0  }
0xd8: {  	[sflag:s0] =	ssyncadd.s32 @!p0 s1  }
0xd9: {  	[bflag:$0x3] =	sbarrier.arrive $0xFFFF  }
0xda: {  	_ =	shalt  }

</sc_bundles>
